<compile_context>
chip_gen: v7x
topology: tpu7x:2x2x1
jax: 0.10.2.dev20260603
libtpu: 0.0.44.dev20260713+nightly
codegen_flags: <defaults>
</compile_context>

<pallas_src>
import functools

import jax
import jax.numpy as jnp
from jax import lax
from jax.experimental import pallas as pl
from jax.experimental.pallas import tpu as pltpu
from jax.experimental.pallas import tpu_sc as plsc

N_VOX = 262144
N_CLUSTS = 16384
PTS = 16
N_EDGES = 131072
HALF = N_EDGES // 2

NC = 2
NS = 16
NW = NC * NS

BLK = 1024
GRID = HALF // BLK


def _mesh():
    return plsc.VectorSubcoreMesh(
        core_axis_name="c", subcore_axis_name="s", num_cores=NC, num_subcores=NS)


_G_ROWS = (2 * N_EDGES) // 128
_G_PER_W = _G_ROWS // NW
_G_GRP = 4


def _gather2(clusts, vox8, eids):
    @functools.partial(
        pl.kernel,
        out_type=jax.ShapeDtypeStruct((_G_ROWS, 128 * 16, 8), jnp.float32),
        mesh=_mesh(),
        compiler_params=pltpu.CompilerParams(use_tc_tiling_on_sc=False),
        scratch_types=[
            pltpu.VMEM((_G_PER_W, 128), jnp.int32),
            pltpu.VMEM((_G_GRP, 128, 16), jnp.int32),
            pltpu.VMEM((_G_GRP, 128 * 16), jnp.int32),
            pltpu.VMEM((_G_GRP, 128 * 16, 8), jnp.float32),
            pltpu.SemaphoreType.DMA,
            pltpu.SemaphoreType.DMA,
        ],
    )
    def kg(clusts_hbm, vox_hbm, eids_hbm, x_hbm,
           eidx_v, ids_v, idf_v, buf_v, s1, s2):
        w = lax.axis_index("s") * NC + lax.axis_index("c")
        base = w * _G_PER_W
        pltpu.sync_copy(eids_hbm.at[pl.ds(base, _G_PER_W)], eidx_v)

        def grp(g, carry):
            d1 = []
            for b in range(_G_GRP):
                d1.append(pltpu.async_copy(
                    clusts_hbm.at[eidx_v.at[g * _G_GRP + b]], ids_v.at[b], s1))
            for d in d1:
                d.wait()

            def flat(j, carry):
                for b in range(_G_GRP):
                    idf_v[b, pl.ds(j * 16, 16)] = ids_v[b, j]
                return carry

            lax.fori_loop(0, 128, flat, 0)

            d2 = []
            for b in range(_G_GRP):
                d2.append(pltpu.async_copy(
                    vox_hbm.at[idf_v.at[b]], buf_v.at[b], s2))
            for d in d2:
                d.wait()
            pltpu.sync_copy(buf_v, x_hbm.at[pl.ds(base + g * _G_GRP, _G_GRP)])
            return carry

        lax.fori_loop(0, _G_PER_W // _G_GRP, grp, 0)

    return kg(clusts, vox8, eids)


def _feats_block(x1, x2):
    f32 = jnp.float32
    i32 = jnp.int32
    hi = lax.Precision.HIGHEST

    r = lax.broadcasted_iota(i32, (128, 64), 0)
    s = lax.broadcasted_iota(i32, (128, 64), 1)
    sel = ((r == ((s & 15) * 8 + (s >> 4))) & ((s >> 4) < 3)).astype(f32)
    xt = jnp.transpose(jnp.concatenate(
        [jnp.dot(x1, sel, precision=hi), jnp.dot(x2, sel, precision=hi)],
        axis=1))
    x1c = [xt[0:16], xt[16:32], xt[32:48]]
    x2c = [xt[64:80], xt[80:96], xt[96:112]]

    x1b = [c.astype(jnp.bfloat16).astype(f32) for c in x1c]
    x2b = [c.astype(jnp.bfloat16).astype(f32) for c in x2c]
    n1 = (x1c[0] * x1c[0] + x1c[1] * x1c[1]) + x1c[2] * x1c[2]
    n2 = (x2c[0] * x2c[0] + x2c[1] * x2c[1]) + x2c[2] * x2c[2]

    m = jnp.full((16, BLK), jnp.inf, f32)
    im = jnp.zeros((16, BLK), i32)
    for p in range(16):
        cross = ((x1b[0][p:p + 1] * x2b[0] + x1b[1][p:p + 1] * x2b[1])
                 + x1b[2][p:p + 1] * x2b[2])
        d2 = (n1[p:p + 1] + n2) - 2.0 * cross
        upd = d2 < m
        m = jnp.where(upd, d2, m)
        im = jnp.where(upd, p, im)

    qio = lax.broadcasted_iota(i32, (16, BLK), 0)
    flat = im * 16 + qio
    qm = jnp.min(m, axis=0, keepdims=True)
    bestflat = jnp.min(jnp.where(m == qm, flat, 1 << 20), axis=0, keepdims=True)
    i1 = bestflat >> 4
    i2 = bestflat & 15

    oh1 = (qio == i1).astype(f32)
    oh2 = (qio == i2).astype(f32)
    v1 = [jnp.sum(oh1 * x1c[c], axis=0, keepdims=True) for c in range(3)]
    v2 = [jnp.sum(oh2 * x2c[c], axis=0, keepdims=True) for c in range(3)]

    d3 = [v1[c] - v2[c] for c in range(3)]
    l2 = d3[0] * d3[0] + d3[1] * d3[1] + d3[2] * d3[2]
    lend = jnp.sqrt(l2)
    pos = lend > 0
    safe = jnp.where(pos, lend, 1.0)
    dn = [jnp.where(pos, d3[c] / safe, d3[c]) for c in range(3)]

    b9 = [dn[i] * dn[j] for i in range(3) for j in range(3)]
    return jnp.concatenate(v1 + v2 + dn + [lend] + b9, axis=0)


def _stage_c_kernel(u_ref, x1a, x2a, x1b, x2b, o1, o2):
    u = u_ref[0, 0]
    f1 = _feats_block(x1a[...], x2a[...])
    f2 = _feats_block(x1b[...], x2b[...])
    o1[...] = f1
    flip = jnp.concatenate([f1[3:6], f1[0:3], -f1[6:9], f1[9:]], axis=0)
    o2[...] = jnp.where(u > 0, flip, f2)


def _stage_c(xall, u):
    nb = N_EDGES // BLK
    blk_x1a = pl.BlockSpec((BLK, 128), lambda i: (i, 0))
    blk_x2a = pl.BlockSpec((BLK, 128), lambda i: (i + nb, 0))
    blk_x1b = pl.BlockSpec((BLK, 128), lambda i: (i + GRID, 0))
    blk_x2b = pl.BlockSpec((BLK, 128), lambda i: (i + nb + GRID, 0))
    blk_out = pl.BlockSpec((19, BLK), lambda i: (0, i))
    return pl.pallas_call(
        _stage_c_kernel,
        grid=(GRID,),
        in_specs=[
            pl.BlockSpec(memory_space=pltpu.SMEM),
            blk_x1a, blk_x2a, blk_x1b, blk_x2b,
        ],
        out_specs=[blk_out, blk_out],
        out_shape=[
            jax.ShapeDtypeStruct((19, HALF), jnp.float32),
            jax.ShapeDtypeStruct((19, HALF), jnp.float32),
        ],
    )(u, xall, xall, xall, xall)


def kernel(data, clusts, edge_index):
    vox8 = jnp.pad(data[:, 1:4].astype(jnp.float32), ((0, 0), (0, 5)))
    eids = edge_index.reshape(_G_ROWS, 128)
    xall = _gather2(clusts, vox8, eids).reshape(2 * N_EDGES, 128)

    und = jnp.logical_and(
        edge_index[1, 0] == edge_index[0, HALF],
        edge_index[0, 0] == edge_index[1, HALF])
    u = und.astype(jnp.int32).reshape(1, 1)

    o1, o2 = _stage_c(xall, u)
    return jnp.concatenate([o1, o2], axis=1).T

# --- scband reference (transcript-rebuilt; emitter-appended) ---
"""Pipeline reference for scband-clust-geo-edge-encoder-15169824489856 (READ-ONLY COPY).

The authoritative reference and input builder live on the scoring server;
editing this copy changes nothing except your own understanding.
"""

import jax, jax.numpy as jnp
import numpy as np

N_VOX = 262144
N_CLUSTS = 16384
PTS = 16
N_EDGES = 131072


def setup_inputs(seed: int = 0) -> dict:
    key = jax.random.key(seed)
    k1, k2, k3 = jax.random.split(key, 3)
    data = jax.random.normal(k1, (N_VOX, 5), dtype=jnp.float32)
    clusts = jax.random.randint(k2, (N_CLUSTS, PTS), 0, N_VOX, dtype=jnp.int32)
    edge_index = jax.random.randint(k3, (2, N_EDGES), 0, N_CLUSTS, dtype=jnp.int32)
    return {"data": data, "clusts": clusts, "edge_index": edge_index}


def _geo_feats(voxels, clusts, edge_index):
    # gather cluster point sets for each edge
    x1 = voxels[clusts[edge_index[0]]]  # [E, P, 3]
    x2 = voxels[clusts[edge_index[1]]]  # [E, P, 3]
    # pairwise squared distances (same argmin as cdist)
    n1 = jnp.sum(x1 * x1, axis=-1)  # [E, P]
    n2 = jnp.sum(x2 * x2, axis=-1)  # [E, P]
    d2 = n1[:, :, None] + n2[:, None, :] - 2.0 * jnp.einsum('epc,eqc->epq', x1, x2)
    E = d2.shape[0]
    P2 = x2.shape[1]
    imin = jnp.argmin(d2.reshape(E, -1), axis=1)
    i1 = imin // P2
    i2 = imin % P2
    ar = jnp.arange(E)
    v1 = x1[ar, i1]  # [E, 3]
    v2 = x2[ar, i2]  # [E, 3]
    disp = v1 - v2
    lend = jnp.linalg.norm(disp, axis=1)  # [E]
    safe = jnp.where(lend > 0, lend, 1.0)
    disp = jnp.where((lend > 0)[:, None], disp / safe[:, None], disp)
    B = (disp[:, :, None] * disp[:, None, :]).reshape(E, 9)  # outer product, flattened
    return jnp.concatenate([v1, v2, disp, lend[:, None], B], axis=1)  # [E, 19]


def reference(data, clusts, edge_index):
    voxels = data[:, 1:4].astype(jnp.float32)  # COORD_COLS = [1, 2, 3]
    E = edge_index.shape[1]
    half = E // 2
    static_ok = (E > 0) and (E % 2 == 0)
    if static_ok:
        undirected = jnp.logical_and(
            edge_index[1, 0] == edge_index[0, half],
            edge_index[0, 0] == edge_index[1, half])
        feats_dir = _geo_feats(voxels, clusts, edge_index)
        feats_half = _geo_feats(voxels, clusts, edge_index[:, :half])
        feats_flip = jnp.concatenate(
            [feats_half[:, 3:6], feats_half[:, 0:3], -feats_half[:, 6:9],
             feats_half[:, 9:]], axis=1)
        feats_und = jnp.concatenate([feats_half, feats_flip], axis=0)
        feats = jnp.where(undirected, feats_und, feats_dir)
    else:
        feats = _geo_feats(voxels, clusts, edge_index)
    return feats

if __name__ == "__main__":
    import jax
    _d = setup_inputs()
    print(jax.jit(kernel)(*tuple(_d.values())))

</pallas_src>

<mosaic_0001>
#map = affine_map<(d0, d1) -> (0, 0)>
#map1 = affine_map<(d0, d1) -> (0, 0, 0)>
module attributes {stable_mosaic.version = 14 : i64} {
  func.func @kg(%arg0: i32, %arg1: i32, %arg2: memref<16384x16xi32, #tpu.memory_space<hbm>>, %arg3: memref<262144x8xf32, #tpu.memory_space<hbm>>, %arg4: memref<2048x128xi32, #tpu.memory_space<hbm>>, %arg5: memref<2048x2048x8xf32, #tpu.memory_space<hbm>>, %arg6: memref<64x128xi32, #tpu.memory_space<vmem>>, %arg7: memref<4x128x16xi32, #tpu.memory_space<vmem>>, %arg8: memref<4x2048xi32, #tpu.memory_space<vmem>>, %arg9: memref<4x2048x8xf32, #tpu.memory_space<vmem>>, %arg10: memref<!tpu.dma_semaphore, #tpu.memory_space<semaphore_mem>>, %arg11: memref<!tpu.dma_semaphore, #tpu.memory_space<semaphore_mem>>) attributes {dimension_semantics = [#tpu.dimension_semantics<core_parallel>, #tpu.dimension_semantics<subcore_parallel>], iteration_bounds = array<i64: 2, 16>, scalar_prefetch = 0 : i64, scratch_operands = 6 : i64, tpu.core_type = #tpu.core_type<sc_vector_subcore>, window_params = [{transform_indices = #map}, {transform_indices = #map}, {transform_indices = #map}, {transform_indices = #map1}]} {
    %mul3A = arith.constant 2 : i32
    %mul3A_0 = arith.muli %arg1, %mul3A : i32
    %add3A = arith.addi %mul3A_0, %arg0 : i32
    %mul3A_1 = arith.constant 64 : i32
    %mul3A_2 = arith.muli %add3A, %mul3A_1 : i32
    "tpu.region"() ({
      %run_scoped3A = tpu.sem_alloc : memref<!tpu.dma_semaphore, #tpu.memory_space<semaphore_mem>>
      %dma_start3A = arith.constant 0 : i32
      %dma_start3A_8 = tpu.memref_slice %arg4[%mul3A_2, %dma_start3A] : memref<2048x128xi32, #tpu.memory_space<hbm>> -> memref<64x128xi32, #tpu.memory_space<hbm>>
      %dma_start3A_9 = arith.constant 0 : i32
      %dma_start3A_10 = tpu.memref_slice %arg4[%mul3A_2, %dma_start3A_9] : memref<2048x128xi32, #tpu.memory_space<hbm>> -> memref<64x128xi32, #tpu.memory_space<hbm>>
      tpu.enqueue_dma source(%dma_start3A_10 : memref<64x128xi32, #tpu.memory_space<hbm>>) target(%arg6 : memref<64x128xi32, #tpu.memory_space<vmem>>) target_semaphore(%run_scoped3A : memref<!tpu.dma_semaphore, #tpu.memory_space<semaphore_mem>>)
      %dma_wait3A = arith.constant 0 : i32
      %dma_wait3A_11 = tpu.memref_slice %arg4[%mul3A_2, %dma_wait3A] : memref<2048x128xi32, #tpu.memory_space<hbm>> -> memref<64x128xi32, #tpu.memory_space<hbm>>
      %dma_wait3A_12 = arith.constant 0 : i32
      %dma_wait3A_13 = tpu.memref_slice %arg4[%mul3A_2, %dma_wait3A_12] : memref<2048x128xi32, #tpu.memory_space<hbm>> -> memref<64x128xi32, #tpu.memory_space<hbm>>
      tpu.wait_dma2 semaphore(%run_scoped3A : memref<!tpu.dma_semaphore, #tpu.memory_space<semaphore_mem>>) src(%dma_wait3A_13 : memref<64x128xi32, #tpu.memory_space<hbm>>) dst(%arg6 : memref<64x128xi32, #tpu.memory_space<vmem>>)
      tpu.yield
    }) : () -> ()
    %scan3A = arith.constant 0 : i32
    %scan3A_3 = arith.constant 0 : i32
    %scan3A_4 = arith.constant 16 : i32
    %scan3A_5 = arith.addi %scan3A_3, %scan3A_4 : i32
    %scan3A_6 = arith.constant 1 : i32
    scf.for %scan3A_8 = %scan3A_3 to %scan3A_5 step %scan3A_6  : i32 {
      %mul3A_9 = arith.constant 4 : i32
      %mul3A_10 = arith.muli %scan3A_8, %mul3A_9 : i32
      %add3A_11 = arith.constant 0 : i32
      %add3A_12 = arith.addi %mul3A_10, %add3A_11 : i32
      %dma_start3A = arith.constant 0 : i32
      %dma_start3A_13 = arith.constant 0 : i32
      %dma_start3A_14 = arith.constant 0 : i32
      %dma_start3A_15 = tpu.memref_slice %arg7[%dma_start3A, %dma_start3A_13, %dma_start3A_14] : memref<4x128x16xi32, #tpu.memory_space<vmem>> -> memref<1x128x16xi32, #tpu.memory_space<vmem>>
      %dma_start3A_16 = tpu.memref_squeeze %dma_start3A_15 : memref<1x128x16xi32, #tpu.memory_space<vmem>> -> memref<128x16xi32, #tpu.memory_space<vmem>>
      %dma_start3A_17 = arith.constant 0 : i32
      %dma_start3A_18 = tpu.memref_slice %arg6[%add3A_12, %dma_start3A_17] : memref<64x128xi32, #tpu.memory_space<vmem>> -> memref<1x128xi32, #tpu.memory_space<vmem>>
      %dma_start3A_19 = tpu.memref_squeeze %dma_start3A_18 : memref<1x128xi32, #tpu.memory_space<vmem>> -> memref<128xi32, #tpu.memory_space<vmem>>
      %dma_start3A_20 = arith.constant 0 : i32
      %dma_start3A_21 = arith.constant 0 : i32
      %dma_start3A_22 = tpu.memref_slice %arg2[%dma_start3A_20, %dma_start3A_21] : memref<16384x16xi32, #tpu.memory_space<hbm>> -> memref<16384x16xi32, #tpu.memory_space<hbm>>
      tpu.enqueue_indirect_dma source(%dma_start3A_22 : memref<16384x16xi32, #tpu.memory_space<hbm>>) target(%dma_start3A_16 : memref<128x16xi32, #tpu.memory_space<vmem>>) offsets(%dma_start3A_19 : memref<128xi32, #tpu.memory_space<vmem>>) semaphore(%arg10 : memref<!tpu.dma_semaphore, #tpu.memory_space<semaphore_mem>>)
      %mul3A_23 = arith.constant 4 : i32
      %mul3A_24 = arith.muli %scan3A_8, %mul3A_23 : i32
      %add3A_25 = arith.constant 1 : i32
      %add3A_26 = arith.addi %mul3A_24, %add3A_25 : i32
      %dma_start3A_27 = arith.constant 1 : i32
      %dma_start3A_28 = arith.constant 0 : i32
      %dma_start3A_29 = arith.constant 0 : i32
      %dma_start3A_30 = tpu.memref_slice %arg7[%dma_start3A_27, %dma_start3A_28, %dma_start3A_29] : memref<4x128x16xi32, #tpu.memory_space<vmem>> -> memref<1x128x16xi32, #tpu.memory_space<vmem>>
      %dma_start3A_31 = tpu.memref_squeeze %dma_start3A_30 : memref<1x128x16xi32, #tpu.memory_space<vmem>> -> memref<128x16xi32, #tpu.memory_space<vmem>>
      %dma_start3A_32 = arith.constant 0 : i32
      %dma_start3A_33 = tpu.memref_slice %arg6[%add3A_26, %dma_start3A_32] : memref<64x128xi32, #tpu.memory_space<vmem>> -> memref<1x128xi32, #tpu.memory_space<vmem>>
      %dma_start3A_34 = tpu.memref_squeeze %dma_start3A_33 : memref<1x128xi32, #tpu.memory_space<vmem>> -> memref<128xi32, #tpu.memory_space<vmem>>
      %dma_start3A_35 = arith.constant 0 : i32
      %dma_start3A_36 = arith.constant 0 : i32
      %dma_start3A_37 = tpu.memref_slice %arg2[%dma_start3A_35, %dma_start3A_36] : memref<16384x16xi32, #tpu.memory_space<hbm>> -> memref<16384x16xi32, #tpu.memory_space<hbm>>
      tpu.enqueue_indirect_dma source(%dma_start3A_37 : memref<16384x16xi32, #tpu.memory_space<hbm>>) target(%dma_start3A_31 : memref<128x16xi32, #tpu.memory_space<vmem>>) offsets(%dma_start3A_34 : memref<128xi32, #tpu.memory_space<vmem>>) semaphore(%arg10 : memref<!tpu.dma_semaphore, #tpu.memory_space<semaphore_mem>>)
      %mul3A_38 = arith.constant 4 : i32
      %mul3A_39 = arith.muli %scan3A_8, %mul3A_38 : i32
      %add3A_40 = arith.constant 2 : i32
      %add3A_41 = arith.addi %mul3A_39, %add3A_40 : i32
      %dma_start3A_42 = arith.constant 2 : i32
      %dma_start3A_43 = arith.constant 0 : i32
      %dma_start3A_44 = arith.constant 0 : i32
      %dma_start3A_45 = tpu.memref_slice %arg7[%dma_start3A_42, %dma_start3A_43, %dma_start3A_44] : memref<4x128x16xi32, #tpu.memory_space<vmem>> -> memref<1x128x16xi32, #tpu.memory_space<vmem>>
      %dma_start3A_46 = tpu.memref_squeeze %dma_start3A_45 : memref<1x128x16xi32, #tpu.memory_space<vmem>> -> memref<128x16xi32, #tpu.memory_space<vmem>>
      %dma_start3A_47 = arith.constant 0 : i32
      %dma_start3A_48 = tpu.memref_slice %arg6[%add3A_41, %dma_start3A_47] : memref<64x128xi32, #tpu.memory_space<vmem>> -> memref<1x128xi32, #tpu.memory_space<vmem>>
      %dma_start3A_49 = tpu.memref_squeeze %dma_start3A_48 : memref<1x128xi32, #tpu.memory_space<vmem>> -> memref<128xi32, #tpu.memory_space<vmem>>
      %dma_start3A_50 = arith.constant 0 : i32
      %dma_start3A_51 = arith.constant 0 : i32
      %dma_start3A_52 = tpu.memref_slice %arg2[%dma_start3A_50, %dma_start3A_51] : memref<16384x16xi32, #tpu.memory_space<hbm>> -> memref<16384x16xi32, #tpu.memory_space<hbm>>
      tpu.enqueue_indirect_dma source(%dma_start3A_52 : memref<16384x16xi32, #tpu.memory_space<hbm>>) target(%dma_start3A_46 : memref<128x16xi32, #tpu.memory_space<vmem>>) offsets(%dma_start3A_49 : memref<128xi32, #tpu.memory_space<vmem>>) semaphore(%arg10 : memref<!tpu.dma_semaphore, #tpu.memory_space<semaphore_mem>>)
      %mul3A_53 = arith.constant 4 : i32
      %mul3A_54 = arith.muli %scan3A_8, %mul3A_53 : i32
      %add3A_55 = arith.constant 3 : i32
      %add3A_56 = arith.addi %mul3A_54, %add3A_55 : i32
      %dma_start3A_57 = arith.constant 3 : i32
      %dma_start3A_58 = arith.constant 0 : i32
      %dma_start3A_59 = arith.constant 0 : i32
      %dma_start3A_60 = tpu.memref_slice %arg7[%dma_start3A_57, %dma_start3A_58, %dma_start3A_59] : memref<4x128x16xi32, #tpu.memory_space<vmem>> -> memref<1x128x16xi32, #tpu.memory_space<vmem>>
      %dma_start3A_61 = tpu.memref_squeeze %dma_start3A_60 : memref<1x128x16xi32, #tpu.memory_space<vmem>> -> memref<128x16xi32, #tpu.memory_space<vmem>>
      %dma_start3A_62 = arith.constant 0 : i32
      %dma_start3A_63 = tpu.memref_slice %arg6[%add3A_56, %dma_start3A_62] : memref<64x128xi32, #tpu.memory_space<vmem>> -> memref<1x128xi32, #tpu.memory_space<vmem>>
      %dma_start3A_64 = tpu.memref_squeeze %dma_start3A_63 : memref<1x128xi32, #tpu.memory_space<vmem>> -> memref<128xi32, #tpu.memory_space<vmem>>
      %dma_start3A_65 = arith.constant 0 : i32
      %dma_start3A_66 = arith.constant 0 : i32
      %dma_start3A_67 = tpu.memref_slice %arg2[%dma_start3A_65, %dma_start3A_66] : memref<16384x16xi32, #tpu.memory_space<hbm>> -> memref<16384x16xi32, #tpu.memory_space<hbm>>
      tpu.enqueue_indirect_dma source(%dma_start3A_67 : memref<16384x16xi32, #tpu.memory_space<hbm>>) target(%dma_start3A_61 : memref<128x16xi32, #tpu.memory_space<vmem>>) offsets(%dma_start3A_64 : memref<128xi32, #tpu.memory_space<vmem>>) semaphore(%arg10 : memref<!tpu.dma_semaphore, #tpu.memory_space<semaphore_mem>>)
      %dma_wait3A = arith.constant 0 : i32
      %dma_wait3A_68 = arith.constant 0 : i32
      %dma_wait3A_69 = arith.constant 0 : i32
      %dma_wait3A_70 = tpu.memref_slice %arg7[%dma_wait3A, %dma_wait3A_68, %dma_wait3A_69] : memref<4x128x16xi32, #tpu.memory_space<vmem>> -> memref<1x128x16xi32, #tpu.memory_space<vmem>>
      %dma_wait3A_71 = tpu.memref_squeeze %dma_wait3A_70 : memref<1x128x16xi32, #tpu.memory_space<vmem>> -> memref<128x16xi32, #tpu.memory_space<vmem>>
      %dma_wait3A_72 = arith.constant 0 : i32
      %dma_wait3A_73 = tpu.memref_slice %arg6[%add3A_12, %dma_wait3A_72] : memref<64x128xi32, #tpu.memory_space<vmem>> -> memref<1x128xi32, #tpu.memory_space<vmem>>
      %dma_wait3A_74 = tpu.memref_squeeze %dma_wait3A_73 : memref<1x128xi32, #tpu.memory_space<vmem>> -> memref<128xi32, #tpu.memory_space<vmem>>
      %dma_wait3A_75 = arith.constant 0 : i32
      %dma_wait3A_76 = arith.constant 0 : i32
      %dma_wait3A_77 = tpu.memref_slice %arg2[%dma_wait3A_75, %dma_wait3A_76] : memref<16384x16xi32, #tpu.memory_space<hbm>> -> memref<16384x16xi32, #tpu.memory_space<hbm>>
      tpu.wait_indirect_dma semaphore(%arg10 : memref<!tpu.dma_semaphore, #tpu.memory_space<semaphore_mem>>) src(%dma_wait3A_77 : memref<16384x16xi32, #tpu.memory_space<hbm>>) dst(%dma_wait3A_71 : memref<128x16xi32, #tpu.memory_space<vmem>>)
      %dma_wait3A_78 = arith.constant 1 : i32
      %dma_wait3A_79 = arith.constant 0 : i32
      %dma_wait3A_80 = arith.constant 0 : i32
      %dma_wait3A_81 = tpu.memref_slice %arg7[%dma_wait3A_78, %dma_wait3A_79, %dma_wait3A_80] : memref<4x128x16xi32, #tpu.memory_space<vmem>> -> memref<1x128x16xi32, #tpu.memory_space<vmem>>
      %dma_wait3A_82 = tpu.memref_squeeze %dma_wait3A_81 : memref<1x128x16xi32, #tpu.memory_space<vmem>> -> memref<128x16xi32, #tpu.memory_space<vmem>>
      %dma_wait3A_83 = arith.constant 0 : i32
      %dma_wait3A_84 = tpu.memref_slice %arg6[%add3A_26, %dma_wait3A_83] : memref<64x128xi32, #tpu.memory_space<vmem>> -> memref<1x128xi32, #tpu.memory_space<vmem>>
      %dma_wait3A_85 = tpu.memref_squeeze %dma_wait3A_84 : memref<1x128xi32, #tpu.memory_space<vmem>> -> memref<128xi32, #tpu.memory_space<vmem>>
      %dma_wait3A_86 = arith.constant 0 : i32
      %dma_wait3A_87 = arith.constant 0 : i32
      %dma_wait3A_88 = tpu.memref_slice %arg2[%dma_wait3A_86, %dma_wait3A_87] : memref<16384x16xi32, #tpu.memory_space<hbm>> -> memref<16384x16xi32, #tpu.memory_space<hbm>>
      tpu.wait_indirect_dma semaphore(%arg10 : memref<!tpu.dma_semaphore, #tpu.memory_space<semaphore_mem>>) src(%dma_wait3A_88 : memref<16384x16xi32, #tpu.memory_space<hbm>>) dst(%dma_wait3A_82 : memref<128x16xi32, #tpu.memory_space<vmem>>)
      %dma_wait3A_89 = arith.constant 2 : i32
      %dma_wait3A_90 = arith.constant 0 : i32
      %dma_wait3A_91 = arith.constant 0 : i32
      %dma_wait3A_92 = tpu.memref_slice %arg7[%dma_wait3A_89, %dma_wait3A_90, %dma_wait3A_91] : memref<4x128x16xi32, #tpu.memory_space<vmem>> -> memref<1x128x16xi32, #tpu.memory_space<vmem>>
      %dma_wait3A_93 = tpu.memref_squeeze %dma_wait3A_92 : memref<1x128x16xi32, #tpu.memory_space<vmem>> -> memref<128x16xi32, #tpu.memory_space<vmem>>
      %dma_wait3A_94 = arith.constant 0 : i32
      %dma_wait3A_95 = tpu.memref_slice %arg6[%add3A_41, %dma_wait3A_94] : memref<64x128xi32, #tpu.memory_space<vmem>> -> memref<1x128xi32, #tpu.memory_space<vmem>>
      %dma_wait3A_96 = tpu.memref_squeeze %dma_wait3A_95 : memref<1x128xi32, #tpu.memory_space<vmem>> -> memref<128xi32, #tpu.memory_space<vmem>>
      %dma_wait3A_97 = arith.constant 0 : i32
      %dma_wait3A_98 = arith.constant 0 : i32
      %dma_wait3A_99 = tpu.memref_slice %arg2[%dma_wait3A_97, %dma_wait3A_98] : memref<16384x16xi32, #tpu.memory_space<hbm>> -> memref<16384x16xi32, #tpu.memory_space<hbm>>
      tpu.wait_indirect_dma semaphore(%arg10 : memref<!tpu.dma_semaphore, #tpu.memory_space<semaphore_mem>>) src(%dma_wait3A_99 : memref<16384x16xi32, #tpu.memory_space<hbm>>) dst(%dma_wait3A_93 : memref<128x16xi32, #tpu.memory_space<vmem>>)
      %dma_wait3A_100 = arith.constant 3 : i32
      %dma_wait3A_101 = arith.constant 0 : i32
      %dma_wait3A_102 = arith.constant 0 : i32
      %dma_wait3A_103 = tpu.memref_slice %arg7[%dma_wait3A_100, %dma_wait3A_101, %dma_wait3A_102] : memref<4x128x16xi32, #tpu.memory_space<vmem>> -> memref<1x128x16xi32, #tpu.memory_space<vmem>>
      %dma_wait3A_104 = tpu.memref_squeeze %dma_wait3A_103 : memref<1x128x16xi32, #tpu.memory_space<vmem>> -> memref<128x16xi32, #tpu.memory_space<vmem>>
      %dma_wait3A_105 = arith.constant 0 : i32
      %dma_wait3A_106 = tpu.memref_slice %arg6[%add3A_56, %dma_wait3A_105] : memref<64x128xi32, #tpu.memory_space<vmem>> -> memref<1x128xi32, #tpu.memory_space<vmem>>
      %dma_wait3A_107 = tpu.memref_squeeze %dma_wait3A_106 : memref<1x128xi32, #tpu.memory_space<vmem>> -> memref<128xi32, #tpu.memory_space<vmem>>
      %dma_wait3A_108 = arith.constant 0 : i32
      %dma_wait3A_109 = arith.constant 0 : i32
      %dma_wait3A_110 = tpu.memref_slice %arg2[%dma_wait3A_108, %dma_wait3A_109] : memref<16384x16xi32, #tpu.memory_space<hbm>> -> memref<16384x16xi32, #tpu.memory_space<hbm>>
      tpu.wait_indirect_dma semaphore(%arg10 : memref<!tpu.dma_semaphore, #tpu.memory_space<semaphore_mem>>) src(%dma_wait3A_110 : memref<16384x16xi32, #tpu.memory_space<hbm>>) dst(%dma_wait3A_104 : memref<128x16xi32, #tpu.memory_space<vmem>>)
      %scan3A_111 = arith.constant 0 : i32
      %scan3A_112 = arith.constant 0 : i32
      %scan3A_113 = arith.constant 128 : i32
      %scan3A_114 = arith.addi %scan3A_112, %scan3A_113 : i32
      %scan3A_115 = arith.constant 1 : i32
      scf.for %scan3A_216 = %scan3A_112 to %scan3A_114 step %scan3A_115  : i32 {
        %get3A = arith.constant 0 : i32
        %get3A_217 = arith.index_cast %get3A : i32 to index
        %get3A_218 = arith.index_cast %scan3A_216 : i32 to index
        %get3A_219 = arith.constant 0 : index
        %get3A_220 = tpu.vector_load %arg7[%get3A_217, %get3A_218, %get3A_219] {strides = array<i32>} : memref<4x128x16xi32, #tpu.memory_space<vmem>>, vector<1x1x16xi32>,
        %get3A_221 = vector.shape_cast %get3A_220 : vector<1x1x16xi32> to vector<16xi32>
        %mul3A_222 = arith.constant 16 : i32
        %mul3A_223 = arith.muli %scan3A_216, %mul3A_222 : i32
        %swap3A = arith.constant 0 : i32
        %swap3A_224 = arith.index_cast %swap3A : i32 to index
        %swap3A_225 = arith.index_cast %mul3A_223 : i32 to index
        %swap3A_226 = tpu.vector_load %arg8[%swap3A_224, %swap3A_225] {strides = array<i32>} : memref<4x2048xi32, #tpu.memory_space<vmem>>, vector<1x16xi32>,
        %swap3A_227 = vector.shape_cast %swap3A_226 : vector<1x16xi32> to vector<16xi32>
        %swap3A_228 = vector.shape_cast %get3A_221 : vector<16xi32> to vector<1x16xi32>
        tpu.vector_store %arg8[%swap3A_224, %swap3A_225], %swap3A_228 {strides = array<i32>} : memref<4x2048xi32, #tpu.memory_space<vmem>>, vector<1x16xi32>,
        %get3A_229 = arith.constant 1 : i32
        %get3A_230 = arith.index_cast %get3A_229 : i32 to index
        %get3A_231 = arith.index_cast %scan3A_216 : i32 to index
        %get3A_232 = arith.constant 0 : index
        %get3A_233 = tpu.vector_load %arg7[%get3A_230, %get3A_231, %get3A_232] {strides = array<i32>} : memref<4x128x16xi32, #tpu.memory_space<vmem>>, vector<1x1x16xi32>,
        %get3A_234 = vector.shape_cast %get3A_233 : vector<1x1x16xi32> to vector<16xi32>
        %mul3A_235 = arith.constant 16 : i32
        %mul3A_236 = arith.muli %scan3A_216, %mul3A_235 : i32
        %swap3A_237 = arith.constant 1 : i32
        %swap3A_238 = arith.index_cast %swap3A_237 : i32 to index
        %swap3A_239 = arith.index_cast %mul3A_236 : i32 to index
        %swap3A_240 = tpu.vector_load %arg8[%swap3A_238, %swap3A_239] {strides = array<i32>} : memref<4x2048xi32, #tpu.memory_space<vmem>>, vector<1x16xi32>,
        %swap3A_241 = vector.shape_cast %swap3A_240 : vector<1x16xi32> to vector<16xi32>
        %swap3A_242 = vector.shape_cast %get3A_234 : vector<16xi32> to vector<1x16xi32>
        tpu.vector_store %arg8[%swap3A_238, %swap3A_239], %swap3A_242 {strides = array<i32>} : memref<4x2048xi32, #tpu.memory_space<vmem>>, vector<1x16xi32>,
        %get3A_243 = arith.constant 2 : i32
        %get3A_244 = arith.index_cast %get3A_243 : i32 to index
        %get3A_245 = arith.index_cast %scan3A_216 : i32 to index
        %get3A_246 = arith.constant 0 : index
        %get3A_247 = tpu.vector_load %arg7[%get3A_244, %get3A_245, %get3A_246] {strides = array<i32>} : memref<4x128x16xi32, #tpu.memory_space<vmem>>, vector<1x1x16xi32>,
        %get3A_248 = vector.shape_cast %get3A_247 : vector<1x1x16xi32> to vector<16xi32>
        %mul3A_249 = arith.constant 16 : i32
        %mul3A_250 = arith.muli %scan3A_216, %mul3A_249 : i32
        %swap3A_251 = arith.constant 2 : i32
        %swap3A_252 = arith.index_cast %swap3A_251 : i32 to index
        %swap3A_253 = arith.index_cast %mul3A_250 : i32 to index
        %swap3A_254 = tpu.vector_load %arg8[%swap3A_252, %swap3A_253] {strides = array<i32>} : memref<4x2048xi32, #tpu.memory_space<vmem>>, vector<1x16xi32>,
        %swap3A_255 = vector.shape_cast %swap3A_254 : vector<1x16xi32> to vector<16xi32>
        %swap3A_256 = vector.shape_cast %get3A_248 : vector<16xi32> to vector<1x16xi32>
        tpu.vector_store %arg8[%swap3A_252, %swap3A_253], %swap3A_256 {strides = array<i32>} : memref<4x2048xi32, #tpu.memory_space<vmem>>, vector<1x16xi32>,
        %get3A_257 = arith.constant 3 : i32
        %get3A_258 = arith.index_cast %get3A_257 : i32 to index
        %get3A_259 = arith.index_cast %scan3A_216 : i32 to index
        %get3A_260 = arith.constant 0 : index
        %get3A_261 = tpu.vector_load %arg7[%get3A_258, %get3A_259, %get3A_260] {strides = array<i32>} : memref<4x128x16xi32, #tpu.memory_space<vmem>>, vector<1x1x16xi32>,
        %get3A_262 = vector.shape_cast %get3A_261 : vector<1x1x16xi32> to vector<16xi32>
        %mul3A_263 = arith.constant 16 : i32
        %mul3A_264 = arith.muli %scan3A_216, %mul3A_263 : i32
        %swap3A_265 = arith.constant 3 : i32
        %swap3A_266 = arith.index_cast %swap3A_265 : i32 to index
        %swap3A_267 = arith.index_cast %mul3A_264 : i32 to index
        %swap3A_268 = tpu.vector_load %arg8[%swap3A_266, %swap3A_267] {strides = array<i32>} : memref<4x2048xi32, #tpu.memory_space<vmem>>, vector<1x16xi32>,
        %swap3A_269 = vector.shape_cast %swap3A_268 : vector<1x16xi32> to vector<16xi32>
        %swap3A_270 = vector.shape_cast %get3A_262 : vector<16xi32> to vector<1x16xi32>
        tpu.vector_store %arg8[%swap3A_266, %swap3A_267], %swap3A_270 {strides = array<i32>} : memref<4x2048xi32, #tpu.memory_space<vmem>>, vector<1x16xi32>,
      }
      %scan3A_116 = arith.constant 128 : i32
      %dma_start3A_117 = arith.constant 0 : i32
      %dma_start3A_118 = arith.constant 0 : i32
      %dma_start3A_119 = arith.constant 0 : i32
      %dma_start3A_120 = arith.constant 0 : i32
      %dma_start3A_121 = tpu.memref_slice %arg9[%dma_start3A_118, %dma_start3A_119, %dma_start3A_120] : memref<4x2048x8xf32, #tpu.memory_space<vmem>> -> memref<1x2048x8xf32, #tpu.memory_space<vmem>>
      %dma_start3A_122 = tpu.memref_squeeze %dma_start3A_121 : memref<1x2048x8xf32, #tpu.memory_space<vmem>> -> memref<2048x8xf32, #tpu.memory_space<vmem>>
      %dma_start3A_123 = arith.constant 0 : i32
      %dma_start3A_124 = tpu.memref_slice %arg8[%dma_start3A_117, %dma_start3A_123] : memref<4x2048xi32, #tpu.memory_space<vmem>> -> memref<1x2048xi32, #tpu.memory_space<vmem>>
      %dma_start3A_125 = tpu.memref_squeeze %dma_start3A_124 : memref<1x2048xi32, #tpu.memory_space<vmem>> -> memref<2048xi32, #tpu.memory_space<vmem>>
      %dma_start3A_126 = arith.constant 0 : i32
      %dma_start3A_127 = arith.constant 0 : i32
      %dma_start3A_128 = tpu.memref_slice %arg3[%dma_start3A_126, %dma_start3A_127] : memref<262144x8xf32, #tpu.memory_space<hbm>> -> memref<262144x8xf32, #tpu.memory_space<hbm>>
      tpu.enqueue_indirect_dma source(%dma_start3A_128 : memref<262144x8xf32, #tpu.memory_space<hbm>>) target(%dma_start3A_122 : memref<2048x8xf32, #tpu.memory_space<vmem>>) offsets(%dma_start3A_125 : memref<2048xi32, #tpu.memory_space<vmem>>) semaphore(%arg11 : memref<!tpu.dma_semaphore, #tpu.memory_space<semaphore_mem>>)
      %dma_start3A_129 = arith.constant 1 : i32
      %dma_start3A_130 = arith.constant 1 : i32
      %dma_start3A_131 = arith.constant 0 : i32
      %dma_start3A_132 = arith.constant 0 : i32
      %dma_start3A_133 = tpu.memref_slice %arg9[%dma_start3A_130, %dma_start3A_131, %dma_start3A_132] : memref<4x2048x8xf32, #tpu.memory_space<vmem>> -> memref<1x2048x8xf32, #tpu.memory_space<vmem>>
      %dma_start3A_134 = tpu.memref_squeeze %dma_start3A_133 : memref<1x2048x8xf32, #tpu.memory_space<vmem>> -> memref<2048x8xf32, #tpu.memory_space<vmem>>
      %dma_start3A_135 = arith.constant 0 : i32
      %dma_start3A_136 = tpu.memref_slice %arg8[%dma_start3A_129, %dma_start3A_135] : memref<4x2048xi32, #tpu.memory_space<vmem>> -> memref<1x2048xi32, #tpu.memory_space<vmem>>
      %dma_start3A_137 = tpu.memref_squeeze %dma_start3A_136 : memref<1x2048xi32, #tpu.memory_space<vmem>> -> memref<2048xi32, #tpu.memory_space<vmem>>
      %dma_start3A_138 = arith.constant 0 : i32
      %dma_start3A_139 = arith.constant 0 : i32
      %dma_start3A_140 = tpu.memref_slice %arg3[%dma_start3A_138, %dma_start3A_139] : memref<262144x8xf32, #tpu.memory_space<hbm>> -> memref<262144x8xf32, #tpu.memory_space<hbm>>
      tpu.enqueue_indirect_dma source(%dma_start3A_140 : memref<262144x8xf32, #tpu.memory_space<hbm>>) target(%dma_start3A_134 : memref<2048x8xf32, #tpu.memory_space<vmem>>) offsets(%dma_start3A_137 : memref<2048xi32, #tpu.memory_space<vmem>>) semaphore(%arg11 : memref<!tpu.dma_semaphore, #tpu.memory_space<semaphore_mem>>)
      %dma_start3A_141 = arith.constant 2 : i32
      %dma_start3A_142 = arith.constant 2 : i32
      %dma_start3A_143 = arith.constant 0 : i32
      %dma_start3A_144 = arith.constant 0 : i32
      %dma_start3A_145 = tpu.memref_slice %arg9[%dma_start3A_142, %dma_start3A_143, %dma_start3A_144] : memref<4x2048x8xf32, #tpu.memory_space<vmem>> -> memref<1x2048x8xf32, #tpu.memory_space<vmem>>
      %dma_start3A_146 = tpu.memref_squeeze %dma_start3A_145 : memref<1x2048x8xf32, #tpu.memory_space<vmem>> -> memref<2048x8xf32, #tpu.memory_space<vmem>>
      %dma_start3A_147 = arith.constant 0 : i32
      %dma_start3A_148 = tpu.memref_slice %arg8[%dma_start3A_141, %dma_start3A_147] : memref<4x2048xi32, #tpu.memory_space<vmem>> -> memref<1x2048xi32, #tpu.memory_space<vmem>>
      %dma_start3A_149 = tpu.memref_squeeze %dma_start3A_148 : memref<1x2048xi32, #tpu.memory_space<vmem>> -> memref<2048xi32, #tpu.memory_space<vmem>>
      %dma_start3A_150 = arith.constant 0 : i32
      %dma_start3A_151 = arith.constant 0 : i32
      %dma_start3A_152 = tpu.memref_slice %arg3[%dma_start3A_150, %dma_start3A_151] : memref<262144x8xf32, #tpu.memory_space<hbm>> -> memref<262144x8xf32, #tpu.memory_space<hbm>>
      tpu.enqueue_indirect_dma source(%dma_start3A_152 : memref<262144x8xf32, #tpu.memory_space<hbm>>) target(%dma_start3A_146 : memref<2048x8xf32, #tpu.memory_space<vmem>>) offsets(%dma_start3A_149 : memref<2048xi32, #tpu.memory_space<vmem>>) semaphore(%arg11 : memref<!tpu.dma_semaphore, #tpu.memory_space<semaphore_mem>>)
      %dma_start3A_153 = arith.constant 3 : i32
      %dma_start3A_154 = arith.constant 3 : i32
      %dma_start3A_155 = arith.constant 0 : i32
      %dma_start3A_156 = arith.constant 0 : i32
      %dma_start3A_157 = tpu.memref_slice %arg9[%dma_start3A_154, %dma_start3A_155, %dma_start3A_156] : memref<4x2048x8xf32, #tpu.memory_space<vmem>> -> memref<1x2048x8xf32, #tpu.memory_space<vmem>>
      %dma_start3A_158 = tpu.memref_squeeze %dma_start3A_157 : memref<1x2048x8xf32, #tpu.memory_space<vmem>> -> memref<2048x8xf32, #tpu.memory_space<vmem>>
      %dma_start3A_159 = arith.constant 0 : i32
      %dma_start3A_160 = tpu.memref_slice %arg8[%dma_start3A_153, %dma_start3A_159] : memref<4x2048xi32, #tpu.memory_space<vmem>> -> memref<1x2048xi32, #tpu.memory_space<vmem>>
      %dma_start3A_161 = tpu.memref_squeeze %dma_start3A_160 : memref<1x2048xi32, #tpu.memory_space<vmem>> -> memref<2048xi32, #tpu.memory_space<vmem>>
      %dma_start3A_162 = arith.constant 0 : i32
      %dma_start3A_163 = arith.constant 0 : i32
      %dma_start3A_164 = tpu.memref_slice %arg3[%dma_start3A_162, %dma_start3A_163] : memref<262144x8xf32, #tpu.memory_space<hbm>> -> memref<262144x8xf32, #tpu.memory_space<hbm>>
      tpu.enqueue_indirect_dma source(%dma_start3A_164 : memref<262144x8xf32, #tpu.memory_space<hbm>>) target(%dma_start3A_158 : memref<2048x8xf32, #tpu.memory_space<vmem>>) offsets(%dma_start3A_161 : memref<2048xi32, #tpu.memory_space<vmem>>) semaphore(%arg11 : memref<!tpu.dma_semaphore, #tpu.memory_space<semaphore_mem>>)
      %dma_wait3A_165 = arith.constant 0 : i32
      %dma_wait3A_166 = arith.constant 0 : i32
      %dma_wait3A_167 = arith.constant 0 : i32
      %dma_wait3A_168 = arith.constant 0 : i32
      %dma_wait3A_169 = tpu.memref_slice %arg9[%dma_wait3A_166, %dma_wait3A_167, %dma_wait3A_168] : memref<4x2048x8xf32, #tpu.memory_space<vmem>> -> memref<1x2048x8xf32, #tpu.memory_space<vmem>>
      %dma_wait3A_170 = tpu.memref_squeeze %dma_wait3A_169 : memref<1x2048x8xf32, #tpu.memory_space<vmem>> -> memref<2048x8xf32, #tpu.memory_space<vmem>>
      %dma_wait3A_171 = arith.constant 0 : i32
      %dma_wait3A_172 = tpu.memref_slice %arg8[%dma_wait3A_165, %dma_wait3A_171] : memref<4x2048xi32, #tpu.memory_space<vmem>> -> memref<1x2048xi32, #tpu.memory_space<vmem>>
      %dma_wait3A_173 = tpu.memref_squeeze %dma_wait3A_172 : memref<1x2048xi32, #tpu.memory_space<vmem>> -> memref<2048xi32, #tpu.memory_space<vmem>>
      %dma_wait3A_174 = arith.constant 0 : i32
      %dma_wait3A_175 = arith.constant 0 : i32
      %dma_wait3A_176 = tpu.memref_slice %arg3[%dma_wait3A_174, %dma_wait3A_175] : memref<262144x8xf32, #tpu.memory_space<hbm>> -> memref<262144x8xf32, #tpu.memory_space<hbm>>
      tpu.wait_indirect_dma semaphore(%arg11 : memref<!tpu.dma_semaphore, #tpu.memory_space<semaphore_mem>>) src(%dma_wait3A_176 : memref<262144x8xf32, #tpu.memory_space<hbm>>) dst(%dma_wait3A_170 : memref<2048x8xf32, #tpu.memory_space<vmem>>)
      %dma_wait3A_177 = arith.constant 1 : i32
      %dma_wait3A_178 = arith.constant 1 : i32
      %dma_wait3A_179 = arith.constant 0 : i32
      %dma_wait3A_180 = arith.constant 0 : i32
      %dma_wait3A_181 = tpu.memref_slice %arg9[%dma_wait3A_178, %dma_wait3A_179, %dma_wait3A_180] : memref<4x2048x8xf32, #tpu.memory_space<vmem>> -> memref<1x2048x8xf32, #tpu.memory_space<vmem>>
      %dma_wait3A_182 = tpu.memref_squeeze %dma_wait3A_181 : memref<1x2048x8xf32, #tpu.memory_space<vmem>> -> memref<2048x8xf32, #tpu.memory_space<vmem>>
      %dma_wait3A_183 = arith.constant 0 : i32
      %dma_wait3A_184 = tpu.memref_slice %arg8[%dma_wait3A_177, %dma_wait3A_183] : memref<4x2048xi32, #tpu.memory_space<vmem>> -> memref<1x2048xi32, #tpu.memory_space<vmem>>
      %dma_wait3A_185 = tpu.memref_squeeze %dma_wait3A_184 : memref<1x2048xi32, #tpu.memory_space<vmem>> -> memref<2048xi32, #tpu.memory_space<vmem>>
      %dma_wait3A_186 = arith.constant 0 : i32
      %dma_wait3A_187 = arith.constant 0 : i32
      %dma_wait3A_188 = tpu.memref_slice %arg3[%dma_wait3A_186, %dma_wait3A_187] : memref<262144x8xf32, #tpu.memory_space<hbm>> -> memref<262144x8xf32, #tpu.memory_space<hbm>>
      tpu.wait_indirect_dma semaphore(%arg11 : memref<!tpu.dma_semaphore, #tpu.memory_space<semaphore_mem>>) src(%dma_wait3A_188 : memref<262144x8xf32, #tpu.memory_space<hbm>>) dst(%dma_wait3A_182 : memref<2048x8xf32, #tpu.memory_space<vmem>>)
      %dma_wait3A_189 = arith.constant 2 : i32
      %dma_wait3A_190 = arith.constant 2 : i32
      %dma_wait3A_191 = arith.constant 0 : i32
      %dma_wait3A_192 = arith.constant 0 : i32
      %dma_wait3A_193 = tpu.memref_slice %arg9[%dma_wait3A_190, %dma_wait3A_191, %dma_wait3A_192] : memref<4x2048x8xf32, #tpu.memory_space<vmem>> -> memref<1x2048x8xf32, #tpu.memory_space<vmem>>
      %dma_wait3A_194 = tpu.memref_squeeze %dma_wait3A_193 : memref<1x2048x8xf32, #tpu.memory_space<vmem>> -> memref<2048x8xf32, #tpu.memory_space<vmem>>
      %dma_wait3A_195 = arith.constant 0 : i32
      %dma_wait3A_196 = tpu.memref_slice %arg8[%dma_wait3A_189, %dma_wait3A_195] : memref<4x2048xi32, #tpu.memory_space<vmem>> -> memref<1x2048xi32, #tpu.memory_space<vmem>>
      %dma_wait3A_197 = tpu.memref_squeeze %dma_wait3A_196 : memref<1x2048xi32, #tpu.memory_space<vmem>> -> memref<2048xi32, #tpu.memory_space<vmem>>
      %dma_wait3A_198 = arith.constant 0 : i32
      %dma_wait3A_199 = arith.constant 0 : i32
      %dma_wait3A_200 = tpu.memref_slice %arg3[%dma_wait3A_198, %dma_wait3A_199] : memref<262144x8xf32, #tpu.memory_space<hbm>> -> memref<262144x8xf32, #tpu.memory_space<hbm>>
      tpu.wait_indirect_dma semaphore(%arg11 : memref<!tpu.dma_semaphore, #tpu.memory_space<semaphore_mem>>) src(%dma_wait3A_200 : memref<262144x8xf32, #tpu.memory_space<hbm>>) dst(%dma_wait3A_194 : memref<2048x8xf32, #tpu.memory_space<vmem>>)
      %dma_wait3A_201 = arith.constant 3 : i32
      %dma_wait3A_202 = arith.constant 3 : i32
      %dma_wait3A_203 = arith.constant 0 : i32
      %dma_wait3A_204 = arith.constant 0 : i32
      %dma_wait3A_205 = tpu.memref_slice %arg9[%dma_wait3A_202, %dma_wait3A_203, %dma_wait3A_204] : memref<4x2048x8xf32, #tpu.memory_space<vmem>> -> memref<1x2048x8xf32, #tpu.memory_space<vmem>>
      %dma_wait3A_206 = tpu.memref_squeeze %dma_wait3A_205 : memref<1x2048x8xf32, #tpu.memory_space<vmem>> -> memref<2048x8xf32, #tpu.memory_space<vmem>>
      %dma_wait3A_207 = arith.constant 0 : i32
      %dma_wait3A_208 = tpu.memref_slice %arg8[%dma_wait3A_201, %dma_wait3A_207] : memref<4x2048xi32, #tpu.memory_space<vmem>> -> memref<1x2048xi32, #tpu.memory_space<vmem>>
      %dma_wait3A_209 = tpu.memref_squeeze %dma_wait3A_208 : memref<1x2048xi32, #tpu.memory_space<vmem>> -> memref<2048xi32, #tpu.memory_space<vmem>>
      %dma_wait3A_210 = arith.constant 0 : i32
      %dma_wait3A_211 = arith.constant 0 : i32
      %dma_wait3A_212 = tpu.memref_slice %arg3[%dma_wait3A_210, %dma_wait3A_211] : memref<262144x8xf32, #tpu.memory_space<hbm>> -> memref<262144x8xf32, #tpu.memory_space<hbm>>
      tpu.wait_indirect_dma semaphore(%arg11 : memref<!tpu.dma_semaphore, #tpu.memory_space<semaphore_mem>>) src(%dma_wait3A_212 : memref<262144x8xf32, #tpu.memory_space<hbm>>) dst(%dma_wait3A_206 : memref<2048x8xf32, #tpu.memory_space<vmem>>)
      %mul3A_213 = arith.constant 4 : i32
      %mul3A_214 = arith.muli %scan3A_8, %mul3A_213 : i32
      %add3A_215 = arith.addi %mul3A_2, %mul3A_214 : i32
      "tpu.region"() ({
        %run_scoped3A = tpu.sem_alloc : memref<!tpu.dma_semaphore, #tpu.memory_space<semaphore_mem>>
        %dma_start3A_216 = arith.constant 0 : i32
        %dma_start3A_217 = arith.constant 0 : i32
        %dma_start3A_218 = tpu.memref_slice %arg5[%add3A_215, %dma_start3A_216, %dma_start3A_217] : memref<2048x2048x8xf32, #tpu.memory_space<hbm>> -> memref<4x2048x8xf32, #tpu.memory_space<hbm>>
        %dma_start3A_219 = arith.constant 0 : i32
        %dma_start3A_220 = arith.constant 0 : i32
        %dma_start3A_221 = tpu.memref_slice %arg5[%add3A_215, %dma_start3A_219, %dma_start3A_220] : memref<2048x2048x8xf32, #tpu.memory_space<hbm>> -> memref<4x2048x8xf32, #tpu.memory_space<hbm>>
        tpu.enqueue_dma source(%arg9 : memref<4x2048x8xf32, #tpu.memory_space<vmem>>) target(%dma_start3A_221 : memref<4x2048x8xf32, #tpu.memory_space<hbm>>) target_semaphore(%run_scoped3A : memref<!tpu.dma_semaphore, #tpu.memory_space<semaphore_mem>>)
        %dma_wait3A_222 = arith.constant 0 : i32
        %dma_wait3A_223 = arith.constant 0 : i32
        %dma_wait3A_224 = tpu.memref_slice %arg5[%add3A_215, %dma_wait3A_222, %dma_wait3A_223] : memref<2048x2048x8xf32, #tpu.memory_space<hbm>> -> memref<4x2048x8xf32, #tpu.memory_space<hbm>>
        %dma_wait3A_225 = arith.constant 0 : i32
        %dma_wait3A_226 = arith.constant 0 : i32
        %dma_wait3A_227 = tpu.memref_slice %arg5[%add3A_215, %dma_wait3A_225, %dma_wait3A_226] : memref<2048x2048x8xf32, #tpu.memory_space<hbm>> -> memref<4x2048x8xf32, #tpu.memory_space<hbm>>
        tpu.wait_dma2 semaphore(%run_scoped3A : memref<!tpu.dma_semaphore, #tpu.memory_space<semaphore_mem>>) src(%arg9 : memref<4x2048x8xf32, #tpu.memory_space<vmem>>) dst(%dma_wait3A_227 : memref<4x2048x8xf32, #tpu.memory_space<hbm>>)
        tpu.yield
      }) : () -> ()
    }
    %scan3A_7 = arith.constant 16 : i32
    return
  }
}

module attributes {stable_mosaic.version = 14 : i64} {
  func.func @_stage_c_kernel(%arg0: i32, %arg1: memref<1x1xi32, #tpu.memory_space<smem>>, %arg2: memref<1024x128xf32, #tpu.memory_space<vmem>>, %arg3: memref<1024x128xf32, #tpu.memory_space<vmem>>, %arg4: memref<1024x128xf32, #tpu.memory_space<vmem>>, %arg5: memref<1024x128xf32, #tpu.memory_space<vmem>>, %arg6: memref<19x1024xf32, #tpu.memory_space<vmem>>, %arg7: memref<19x1024xf32, #tpu.memory_space<vmem>>) attributes {dimension_semantics = [#tpu.dimension_semantics<arbitrary>], iteration_bounds = array<i64: 64>, scalar_prefetch = 0 : i64, scratch_operands = 0 : i64, tpu.core_type = #tpu.core_type<tc>, window_params = [{transform_indices = @transform_0, window_bounds = array<i64: 1, 1>}, {transform_indices = @transform_1, window_bounds = array<i64: 1024, 128>}, {transform_indices = @transform_2, window_bounds = array<i64: 1024, 128>}, {transform_indices = @transform_3, window_bounds = array<i64: 1024, 128>}, {transform_indices = @transform_4, window_bounds = array<i64: 1024, 128>}, {transform_indices = @transform_5, window_bounds = array<i64: 19, 1024>}, {transform_indices = @transform_6, window_bounds = array<i64: 19, 1024>}]} {
    %get3A = arith.constant 0 : index
    %get3A_0 = arith.constant 0 : index
    %get3A_1 = memref.load %arg1[%get3A, %get3A_0] : memref<1x1xi32, #tpu.memory_space<smem>>
    %get3A_2 = arith.constant 0 : index
    %get3A_3 = arith.constant 0 : index
    %get3A_4 = vector.load %arg2[%get3A_2, %get3A_3] : memref<1024x128xf32, #tpu.memory_space<vmem>>, vector<1024x128xf32>
    %get3A_5 = arith.constant 0 : index
    %get3A_6 = arith.constant 0 : index
    %get3A_7 = vector.load %arg3[%get3A_5, %get3A_6] : memref<1024x128xf32, #tpu.memory_space<vmem>>, vector<1024x128xf32>
    %iota3A = tpu.iota {dimensions = array<i32: 0>} : vector<128x64xi32>
    %iota3A_8 = tpu.iota {dimensions = array<i32: 1>} : vector<128x64xi32>
    %and3A = arith.constant 15 : i32
    %and3A_9 = vector.broadcast %and3A : i32 to vector<128x64xi32>
    %and3A_10 = arith.andi %iota3A_8, %and3A_9 : vector<128x64xi32>
    %mul3A = arith.constant 8 : i32
    %mul3A_11 = vector.broadcast %mul3A : i32 to vector<128x64xi32>
    %mul3A_12 = arith.muli %and3A_10, %mul3A_11 : vector<128x64xi32>
    %shift_right_arithmetic3A = arith.constant 4 : i32
    %shift_right_arithmetic3A_13 = vector.broadcast %shift_right_arithmetic3A : i32 to vector<128x64xi32>
    %shift_right_arithmetic3A_14 = arith.shrsi %iota3A_8, %shift_right_arithmetic3A_13 : vector<128x64xi32>
    %add3A = arith.addi %mul3A_12, %shift_right_arithmetic3A_14 : vector<128x64xi32>
    %eq3A = arith.cmpi eq, %iota3A, %add3A : vector<128x64xi32>
    %shift_right_arithmetic3A_15 = arith.constant 4 : i32
    %shift_right_arithmetic3A_16 = vector.broadcast %shift_right_arithmetic3A_15 : i32 to vector<128x64xi32>
    %shift_right_arithmetic3A_17 = arith.shrsi %iota3A_8, %shift_right_arithmetic3A_16 : vector<128x64xi32>
    %lt3A = arith.constant 3 : i32
    %lt3A_18 = vector.broadcast %lt3A : i32 to vector<128x64xi32>
    %lt3A_19 = arith.cmpi slt, %shift_right_arithmetic3A_17, %lt3A_18 : vector<128x64xi32>
    %and3A_20 = arith.andi %eq3A, %lt3A_19 : vector<128x64xi1>
    %convert_element_type3A = arith.extui %and3A_20 : vector<128x64xi1> to vector<128x64xi32>
    %convert_element_type3A_21 = arith.sitofp %convert_element_type3A : vector<128x64xi32> to vector<128x64xf32>
    %dot_general3A = arith.constant dense<0.000000e+00> : vector<1024x64xf32>
    %dot_general3A_22 = tpu.matmul %get3A_4, %convert_element_type3A_21, %dot_general3A {dimension_numbers = #tpu.dot_dimension_numbers<[1], [0], [0], [1], [0, 0, 1, 1], [], []>, precision = #tpu.contract_precision<fp32>, transpose_lhs_hint = false} : vector<1024x128xf32>, vector<128x64xf32>, vector<1024x64xf32> -> vector<1024x64xf32>
    %dot_general3A_23 = arith.constant dense<0.000000e+00> : vector<1024x64xf32>
    %dot_general3A_24 = tpu.matmul %get3A_7, %convert_element_type3A_21, %dot_general3A_23 {dimension_numbers = #tpu.dot_dimension_numbers<[1], [0], [0], [1], [0, 0, 1, 1], [], []>, precision = #tpu.contract_precision<fp32>, transpose_lhs_hint = false} : vector<1024x128xf32>, vector<128x64xf32>, vector<1024x64xf32> -> vector<1024x64xf32>
    %concatenate3A = tpu.concatenate %dot_general3A_22, %dot_general3A_24 in 1 : vector<1024x64xf32>, vector<1024x64xf32> -> vector<1024x128xf32>
    %transpose3A = tpu.transpose %concatenate3A, [1, 0] : vector<1024x128xf32> -> vector<128x1024xf32>
    %slice3A = vector.extract_strided_slice %transpose3A {offsets = [0, 0], sizes = [16, 1024], strides = [1, 1]} : vector<128x1024xf32> to vector<16x1024xf32>
    %slice3A_25 = vector.extract_strided_slice %transpose3A {offsets = [16, 0], sizes = [16, 1024], strides = [1, 1]} : vector<128x1024xf32> to vector<16x1024xf32>
    %slice3A_26 = vector.extract_strided_slice %transpose3A {offsets = [32, 0], sizes = [16, 1024], strides = [1, 1]} : vector<128x1024xf32> to vector<16x1024xf32>
    %slice3A_27 = vector.extract_strided_slice %transpose3A {offsets = [64, 0], sizes = [16, 1024], strides = [1, 1]} : vector<128x1024xf32> to vector<16x1024xf32>
    %slice3A_28 = vector.extract_strided_slice %transpose3A {offsets = [80, 0], sizes = [16, 1024], strides = [1, 1]} : vector<128x1024xf32> to vector<16x1024xf32>
    %slice3A_29 = vector.extract_strided_slice %transpose3A {offsets = [96, 0], sizes = [16, 1024], strides = [1, 1]} : vector<128x1024xf32> to vector<16x1024xf32>
    %convert_element_type3A_30 = arith.truncf %slice3A : vector<16x1024xf32> to vector<16x1024xbf16>
    %convert_element_type3A_31 = arith.extf %convert_element_type3A_30 : vector<16x1024xbf16> to vector<16x1024xf32>
    %convert_element_type3A_32 = arith.truncf %slice3A_25 : vector<16x1024xf32> to vector<16x1024xbf16>
    %convert_element_type3A_33 = arith.extf %convert_element_type3A_32 : vector<16x1024xbf16> to vector<16x1024xf32>
    %convert_element_type3A_34 = arith.truncf %slice3A_26 : vector<16x1024xf32> to vector<16x1024xbf16>
    %convert_element_type3A_35 = arith.extf %convert_element_type3A_34 : vector<16x1024xbf16> to vector<16x1024xf32>
    %convert_element_type3A_36 = arith.truncf %slice3A_27 : vector<16x1024xf32> to vector<16x1024xbf16>
    %convert_element_type3A_37 = arith.extf %convert_element_type3A_36 : vector<16x1024xbf16> to vector<16x1024xf32>
    %convert_element_type3A_38 = arith.truncf %slice3A_28 : vector<16x1024xf32> to vector<16x1024xbf16>
    %convert_element_type3A_39 = arith.extf %convert_element_type3A_38 : vector<16x1024xbf16> to vector<16x1024xf32>
    %convert_element_type3A_40 = arith.truncf %slice3A_29 : vector<16x1024xf32> to vector<16x1024xbf16>
    %convert_element_type3A_41 = arith.extf %convert_element_type3A_40 : vector<16x1024xbf16> to vector<16x1024xf32>
    %mul3A_42 = arith.mulf %slice3A, %slice3A : vector<16x1024xf32>
    %mul3A_43 = arith.mulf %slice3A_25, %slice3A_25 : vector<16x1024xf32>
    %add3A_44 = arith.addf %mul3A_42, %mul3A_43 : vector<16x1024xf32>
    %mul3A_45 = arith.mulf %slice3A_26, %slice3A_26 : vector<16x1024xf32>
    %add3A_46 = arith.addf %add3A_44, %mul3A_45 : vector<16x1024xf32>
    %mul3A_47 = arith.mulf %slice3A_27, %slice3A_27 : vector<16x1024xf32>
    %mul3A_48 = arith.mulf %slice3A_28, %slice3A_28 : vector<16x1024xf32>
    %add3A_49 = arith.addf %mul3A_47, %mul3A_48 : vector<16x1024xf32>
    %mul3A_50 = arith.mulf %slice3A_29, %slice3A_29 : vector<16x1024xf32>
    %add3A_51 = arith.addf %add3A_49, %mul3A_50 : vector<16x1024xf32>
    %broadcast_in_dim3A = arith.constant 0x7F800000 : f32
    %broadcast_in_dim3A_52 = vector.broadcast %broadcast_in_dim3A : f32 to vector<16x1024xf32>
    %broadcast_in_dim3A_53 = arith.constant 0 : i32
    %broadcast_in_dim3A_54 = vector.broadcast %broadcast_in_dim3A_53 : i32 to vector<16x1024xi32>
    %slice3A_55 = vector.extract_strided_slice %convert_element_type3A_31 {offsets = [0, 0], sizes = [1, 1024], strides = [1, 1]} : vector<16x1024xf32> to vector<1x1024xf32>
    %mul3A_56 = vector.broadcast %slice3A_55 : vector<1x1024xf32> to vector<16x1024xf32>
    %mul3A_57 = arith.mulf %mul3A_56, %convert_element_type3A_37 : vector<16x1024xf32>
    %slice3A_58 = vector.extract_strided_slice %convert_element_type3A_33 {offsets = [0, 0], sizes = [1, 1024], strides = [1, 1]} : vector<16x1024xf32> to vector<1x1024xf32>
    %mul3A_59 = vector.broadcast %slice3A_58 : vector<1x1024xf32> to vector<16x1024xf32>
    %mul3A_60 = arith.mulf %mul3A_59, %convert_element_type3A_39 : vector<16x1024xf32>
    %add3A_61 = arith.addf %mul3A_57, %mul3A_60 : vector<16x1024xf32>
    %slice3A_62 = vector.extract_strided_slice %convert_element_type3A_35 {offsets = [0, 0], sizes = [1, 1024], strides = [1, 1]} : vector<16x1024xf32> to vector<1x1024xf32>
    %mul3A_63 = vector.broadcast %slice3A_62 : vector<1x1024xf32> to vector<16x1024xf32>
    %mul3A_64 = arith.mulf %mul3A_63, %convert_element_type3A_41 : vector<16x1024xf32>
    %add3A_65 = arith.addf %add3A_61, %mul3A_64 : vector<16x1024xf32>
    %slice3A_66 = vector.extract_strided_slice %add3A_46 {offsets = [0, 0], sizes = [1, 1024], strides = [1, 1]} : vector<16x1024xf32> to vector<1x1024xf32>
    %add3A_67 = vector.broadcast %slice3A_66 : vector<1x1024xf32> to vector<16x1024xf32>
    %add3A_68 = arith.addf %add3A_67, %add3A_51 : vector<16x1024xf32>
    %mul3A_69 = arith.constant 2.000000e+00 : f32
    %mul3A_70 = vector.broadcast %mul3A_69 : f32 to vector<16x1024xf32>
    %mul3A_71 = arith.mulf %mul3A_70, %add3A_65 : vector<16x1024xf32>
    %sub3A = arith.subf %add3A_68, %mul3A_71 : vector<16x1024xf32>
    %lt3A_72 = arith.cmpf olt, %sub3A, %broadcast_in_dim3A_52 : vector<16x1024xf32>
    %select_n3A = arith.select %lt3A_72, %sub3A, %broadcast_in_dim3A_52 : vector<16x1024xi1>, vector<16x1024xf32>
    %jit3A = arith.constant 0 : i32
    %broadcast_in_dim3A_73 = vector.broadcast %jit3A : i32 to vector<16x1024xi32>
    %select_n3A_74 = arith.select %lt3A_72, %broadcast_in_dim3A_73, %broadcast_in_dim3A_54 : vector<16x1024xi1>, vector<16x1024xi32>
    %slice3A_75 = vector.extract_strided_slice %convert_element_type3A_31 {offsets = [1, 0], sizes = [1, 1024], strides = [1, 1]} : vector<16x1024xf32> to vector<1x1024xf32>
    %mul3A_76 = vector.broadcast %slice3A_75 : vector<1x1024xf32> to vector<16x1024xf32>
    %mul3A_77 = arith.mulf %mul3A_76, %convert_element_type3A_37 : vector<16x1024xf32>
    %slice3A_78 = vector.extract_strided_slice %convert_element_type3A_33 {offsets = [1, 0], sizes = [1, 1024], strides = [1, 1]} : vector<16x1024xf32> to vector<1x1024xf32>
    %mul3A_79 = vector.broadcast %slice3A_78 : vector<1x1024xf32> to vector<16x1024xf32>
    %mul3A_80 = arith.mulf %mul3A_79, %convert_element_type3A_39 : vector<16x1024xf32>
    %add3A_81 = arith.addf %mul3A_77, %mul3A_80 : vector<16x1024xf32>
    %slice3A_82 = vector.extract_strided_slice %convert_element_type3A_35 {offsets = [1, 0], sizes = [1, 1024], strides = [1, 1]} : vector<16x1024xf32> to vector<1x1024xf32>
    %mul3A_83 = vector.broadcast %slice3A_82 : vector<1x1024xf32> to vector<16x1024xf32>
    %mul3A_84 = arith.mulf %mul3A_83, %convert_element_type3A_41 : vector<16x1024xf32>
    %add3A_85 = arith.addf %add3A_81, %mul3A_84 : vector<16x1024xf32>
    %slice3A_86 = vector.extract_strided_slice %add3A_46 {offsets = [1, 0], sizes = [1, 1024], strides = [1, 1]} : vector<16x1024xf32> to vector<1x1024xf32>
    %add3A_87 = vector.broadcast %slice3A_86 : vector<1x1024xf32> to vector<16x1024xf32>
    %add3A_88 = arith.addf %add3A_87, %add3A_51 : vector<16x1024xf32>
    %mul3A_89 = arith.constant 2.000000e+00 : f32
    %mul3A_90 = vector.broadcast %mul3A_89 : f32 to vector<16x1024xf32>
    %mul3A_91 = arith.mulf %mul3A_90, %add3A_85 : vector<16x1024xf32>
    %sub3A_92 = arith.subf %add3A_88, %mul3A_91 : vector<16x1024xf32>
    %lt3A_93 = arith.cmpf olt, %sub3A_92, %select_n3A : vector<16x1024xf32>
    %select_n3A_94 = arith.select %lt3A_93, %sub3A_92, %select_n3A : vector<16x1024xi1>, vector<16x1024xf32>
    %jit3A_95 = arith.constant 1 : i32
    %broadcast_in_dim3A_96 = vector.broadcast %jit3A_95 : i32 to vector<16x1024xi32>
    %select_n3A_97 = arith.select %lt3A_93, %broadcast_in_dim3A_96, %select_n3A_74 : vector<16x1024xi1>, vector<16x1024xi32>
    %slice3A_98 = vector.extract_strided_slice %convert_element_type3A_31 {offsets = [2, 0], sizes = [1, 1024], strides = [1, 1]} : vector<16x1024xf32> to vector<1x1024xf32>
    %mul3A_99 = vector.broadcast %slice3A_98 : vector<1x1024xf32> to vector<16x1024xf32>
    %mul3A_100 = arith.mulf %mul3A_99, %convert_element_type3A_37 : vector<16x1024xf32>
    %slice3A_101 = vector.extract_strided_slice %convert_element_type3A_33 {offsets = [2, 0], sizes = [1, 1024], strides = [1, 1]} : vector<16x1024xf32> to vector<1x1024xf32>
    %mul3A_102 = vector.broadcast %slice3A_101 : vector<1x1024xf32> to vector<16x1024xf32>
    %mul3A_103 = arith.mulf %mul3A_102, %convert_element_type3A_39 : vector<16x1024xf32>
    %add3A_104 = arith.addf %mul3A_100, %mul3A_103 : vector<16x1024xf32>
    %slice3A_105 = vector.extract_strided_slice %convert_element_type3A_35 {offsets = [2, 0], sizes = [1, 1024], strides = [1, 1]} : vector<16x1024xf32> to vector<1x1024xf32>
    %mul3A_106 = vector.broadcast %slice3A_105 : vector<1x1024xf32> to vector<16x1024xf32>
    %mul3A_107 = arith.mulf %mul3A_106, %convert_element_type3A_41 : vector<16x1024xf32>
    %add3A_108 = arith.addf %add3A_104, %mul3A_107 : vector<16x1024xf32>
    %slice3A_109 = vector.extract_strided_slice %add3A_46 {offsets = [2, 0], sizes = [1, 1024], strides = [1, 1]} : vector<16x1024xf32> to vector<1x1024xf32>
    %add3A_110 = vector.broadcast %slice3A_109 : vector<1x1024xf32> to vector<16x1024xf32>
    %add3A_111 = arith.addf %add3A_110, %add3A_51 : vector<16x1024xf32>
    %mul3A_112 = arith.constant 2.000000e+00 : f32
    %mul3A_113 = vector.broadcast %mul3A_112 : f32 to vector<16x1024xf32>
    %mul3A_114 = arith.mulf %mul3A_113, %add3A_108 : vector<16x1024xf32>
    %sub3A_115 = arith.subf %add3A_111, %mul3A_114 : vector<16x1024xf32>
    %lt3A_116 = arith.cmpf olt, %sub3A_115, %select_n3A_94 : vector<16x1024xf32>
    %select_n3A_117 = arith.select %lt3A_116, %sub3A_115, %select_n3A_94 : vector<16x1024xi1>, vector<16x1024xf32>
    %jit3A_118 = arith.constant 2 : i32
    %broadcast_in_dim3A_119 = vector.broadcast %jit3A_118 : i32 to vector<16x1024xi32>
    %select_n3A_120 = arith.select %lt3A_116, %broadcast_in_dim3A_119, %select_n3A_97 : vector<16x1024xi1>, vector<16x1024xi32>
    %slice3A_121 = vector.extract_strided_slice %convert_element_type3A_31 {offsets = [3, 0], sizes = [1, 1024], strides = [1, 1]} : vector<16x1024xf32> to vector<1x1024xf32>
    %mul3A_122 = vector.broadcast %slice3A_121 : vector<1x1024xf32> to vector<16x1024xf32>
    %mul3A_123 = arith.mulf %mul3A_122, %convert_element_type3A_37 : vector<16x1024xf32>
    %slice3A_124 = vector.extract_strided_slice %convert_element_type3A_33 {offsets = [3, 0], sizes = [1, 1024], strides = [1, 1]} : vector<16x1024xf32> to vector<1x1024xf32>
    %mul3A_125 = vector.broadcast %slice3A_124 : vector<1x1024xf32> to vector<16x1024xf32>
    %mul3A_126 = arith.mulf %mul3A_125, %convert_element_type3A_39 : vector<16x1024xf32>
    %add3A_127 = arith.addf %mul3A_123, %mul3A_126 : vector<16x1024xf32>
    %slice3A_128 = vector.extract_strided_slice %convert_element_type3A_35 {offsets = [3, 0], sizes = [1, 1024], strides = [1, 1]} : vector<16x1024xf32> to vector<1x1024xf32>
    %mul3A_129 = vector.broadcast %slice3A_128 : vector<1x1024xf32> to vector<16x1024xf32>
    %mul3A_130 = arith.mulf %mul3A_129, %convert_element_type3A_41 : vector<16x1024xf32>
    %add3A_131 = arith.addf %add3A_127, %mul3A_130 : vector<16x1024xf32>
    %slice3A_132 = vector.extract_strided_slice %add3A_46 {offsets = [3, 0], sizes = [1, 1024], strides = [1, 1]} : vector<16x1024xf32> to vector<1x1024xf32>
    %add3A_133 = vector.broadcast %slice3A_132 : vector<1x1024xf32> to vector<16x1024xf32>
    %add3A_134 = arith.addf %add3A_133, %add3A_51 : vector<16x1024xf32>
    %mul3A_135 = arith.constant 2.000000e+00 : f32
    %mul3A_136 = vector.broadcast %mul3A_135 : f32 to vector<16x1024xf32>
    %mul3A_137 = arith.mulf %mul3A_136, %add3A_131 : vector<16x1024xf32>
    %sub3A_138 = arith.subf %add3A_134, %mul3A_137 : vector<16x1024xf32>
    %lt3A_139 = arith.cmpf olt, %sub3A_138, %select_n3A_117 : vector<16x1024xf32>
    %select_n3A_140 = arith.select %lt3A_139, %sub3A_138, %select_n3A_117 : vector<16x1024xi1>, vector<16x1024xf32>
    %jit3A_141 = arith.constant 3 : i32
    %broadcast_in_dim3A_142 = vector.broadcast %jit3A_141 : i32 to vector<16x1024xi32>
    %select_n3A_143 = arith.select %lt3A_139, %broadcast_in_dim3A_142, %select_n3A_120 : vector<16x1024xi1>, vector<16x1024xi32>
    %slice3A_144 = vector.extract_strided_slice %convert_element_type3A_31 {offsets = [4, 0], sizes = [1, 1024], strides = [1, 1]} : vector<16x1024xf32> to vector<1x1024xf32>
    %mul3A_145 = vector.broadcast %slice3A_144 : vector<1x1024xf32> to vector<16x1024xf32>
    %mul3A_146 = arith.mulf %mul3A_145, %convert_element_type3A_37 : vector<16x1024xf32>
    %slice3A_147 = vector.extract_strided_slice %convert_element_type3A_33 {offsets = [4, 0], sizes = [1, 1024], strides = [1, 1]} : vector<16x1024xf32> to vector<1x1024xf32>
    %mul3A_148 = vector.broadcast %slice3A_147 : vector<1x1024xf32> to vector<16x1024xf32>
    %mul3A_149 = arith.mulf %mul3A_148, %convert_element_type3A_39 : vector<16x1024xf32>
    %add3A_150 = arith.addf %mul3A_146, %mul3A_149 : vector<16x1024xf32>
    %slice3A_151 = vector.extract_strided_slice %convert_element_type3A_35 {offsets = [4, 0], sizes = [1, 1024], strides = [1, 1]} : vector<16x1024xf32> to vector<1x1024xf32>
    %mul3A_152 = vector.broadcast %slice3A_151 : vector<1x1024xf32> to vector<16x1024xf32>
    %mul3A_153 = arith.mulf %mul3A_152, %convert_element_type3A_41 : vector<16x1024xf32>
    %add3A_154 = arith.addf %add3A_150, %mul3A_153 : vector<16x1024xf32>
    %slice3A_155 = vector.extract_strided_slice %add3A_46 {offsets = [4, 0], sizes = [1, 1024], strides = [1, 1]} : vector<16x1024xf32> to vector<1x1024xf32>
    %add3A_156 = vector.broadcast %slice3A_155 : vector<1x1024xf32> to vector<16x1024xf32>
    %add3A_157 = arith.addf %add3A_156, %add3A_51 : vector<16x1024xf32>
    %mul3A_158 = arith.constant 2.000000e+00 : f32
    %mul3A_159 = vector.broadcast %mul3A_158 : f32 to vector<16x1024xf32>
    %mul3A_160 = arith.mulf %mul3A_159, %add3A_154 : vector<16x1024xf32>
    %sub3A_161 = arith.subf %add3A_157, %mul3A_160 : vector<16x1024xf32>
    %lt3A_162 = arith.cmpf olt, %sub3A_161, %select_n3A_140 : vector<16x1024xf32>
    %select_n3A_163 = arith.select %lt3A_162, %sub3A_161, %select_n3A_140 : vector<16x1024xi1>, vector<16x1024xf32>
    %jit3A_164 = arith.constant 4 : i32
    %broadcast_in_dim3A_165 = vector.broadcast %jit3A_164 : i32 to vector<16x1024xi32>
    %select_n3A_166 = arith.select %lt3A_162, %broadcast_in_dim3A_165, %select_n3A_143 : vector<16x1024xi1>, vector<16x1024xi32>
    %slice3A_167 = vector.extract_strided_slice %convert_element_type3A_31 {offsets = [5, 0], sizes = [1, 1024], strides = [1, 1]} : vector<16x1024xf32> to vector<1x1024xf32>
    %mul3A_168 = vector.broadcast %slice3A_167 : vector<1x1024xf32> to vector<16x1024xf32>
    %mul3A_169 = arith.mulf %mul3A_168, %convert_element_type3A_37 : vector<16x1024xf32>
    %slice3A_170 = vector.extract_strided_slice %convert_element_type3A_33 {offsets = [5, 0], sizes = [1, 1024], strides = [1, 1]} : vector<16x1024xf32> to vector<1x1024xf32>
    %mul3A_171 = vector.broadcast %slice3A_170 : vector<1x1024xf32> to vector<16x1024xf32>
    %mul3A_172 = arith.mulf %mul3A_171, %convert_element_type3A_39 : vector<16x1024xf32>
    %add3A_173 = arith.addf %mul3A_169, %mul3A_172 : vector<16x1024xf32>
    %slice3A_174 = vector.extract_strided_slice %convert_element_type3A_35 {offsets = [5, 0], sizes = [1, 1024], strides = [1, 1]} : vector<16x1024xf32> to vector<1x1024xf32>
    %mul3A_175 = vector.broadcast %slice3A_174 : vector<1x1024xf32> to vector<16x1024xf32>
    %mul3A_176 = arith.mulf %mul3A_175, %convert_element_type3A_41 : vector<16x1024xf32>
    %add3A_177 = arith.addf %add3A_173, %mul3A_176 : vector<16x1024xf32>
    %slice3A_178 = vector.extract_strided_slice %add3A_46 {offsets = [5, 0], sizes = [1, 1024], strides = [1, 1]} : vector<16x1024xf32> to vector<1x1024xf32>
    %add3A_179 = vector.broadcast %slice3A_178 : vector<1x1024xf32> to vector<16x1024xf32>
    %add3A_180 = arith.addf %add3A_179, %add3A_51 : vector<16x1024xf32>
    %mul3A_181 = arith.constant 2.000000e+00 : f32
    %mul3A_182 = vector.broadcast %mul3A_181 : f32 to vector<16x1024xf32>
    %mul3A_183 = arith.mulf %mul3A_182, %add3A_177 : vector<16x1024xf32>
    %sub3A_184 = arith.subf %add3A_180, %mul3A_183 : vector<16x1024xf32>
    %lt3A_185 = arith.cmpf olt, %sub3A_184, %select_n3A_163 : vector<16x1024xf32>
    %select_n3A_186 = arith.select %lt3A_185, %sub3A_184, %select_n3A_163 : vector<16x1024xi1>, vector<16x1024xf32>
    %jit3A_187 = arith.constant 5 : i32
    %broadcast_in_dim3A_188 = vector.broadcast %jit3A_187 : i32 to vector<16x1024xi32>
    %select_n3A_189 = arith.select %lt3A_185, %broadcast_in_dim3A_188, %select_n3A_166 : vector<16x1024xi1>, vector<16x1024xi32>
    %slice3A_190 = vector.extract_strided_slice %convert_element_type3A_31 {offsets = [6, 0], sizes = [1, 1024], strides = [1, 1]} : vector<16x1024xf32> to vector<1x1024xf32>
    %mul3A_191 = vector.broadcast %slice3A_190 : vector<1x1024xf32> to vector<16x1024xf32>
    %mul3A_192 = arith.mulf %mul3A_191, %convert_element_type3A_37 : vector<16x1024xf32>
    %slice3A_193 = vector.extract_strided_slice %convert_element_type3A_33 {offsets = [6, 0], sizes = [1, 1024], strides = [1, 1]} : vector<16x1024xf32> to vector<1x1024xf32>
    %mul3A_194 = vector.broadcast %slice3A_193 : vector<1x1024xf32> to vector<16x1024xf32>
    %mul3A_195 = arith.mulf %mul3A_194, %convert_element_type3A_39 : vector<16x1024xf32>
    %add3A_196 = arith.addf %mul3A_192, %mul3A_195 : vector<16x1024xf32>
    %slice3A_197 = vector.extract_strided_slice %convert_element_type3A_35 {offsets = [6, 0], sizes = [1, 1024], strides = [1, 1]} : vector<16x1024xf32> to vector<1x1024xf32>
    %mul3A_198 = vector.broadcast %slice3A_197 : vector<1x1024xf32> to vector<16x1024xf32>
    %mul3A_199 = arith.mulf %mul3A_198, %convert_element_type3A_41 : vector<16x1024xf32>
    %add3A_200 = arith.addf %add3A_196, %mul3A_199 : vector<16x1024xf32>
    %slice3A_201 = vector.extract_strided_slice %add3A_46 {offsets = [6, 0], sizes = [1, 1024], strides = [1, 1]} : vector<16x1024xf32> to vector<1x1024xf32>
    %add3A_202 = vector.broadcast %slice3A_201 : vector<1x1024xf32> to vector<16x1024xf32>
    %add3A_203 = arith.addf %add3A_202, %add3A_51 : vector<16x1024xf32>
    %mul3A_204 = arith.constant 2.000000e+00 : f32
    %mul3A_205 = vector.broadcast %mul3A_204 : f32 to vector<16x1024xf32>
    %mul3A_206 = arith.mulf %mul3A_205, %add3A_200 : vector<16x1024xf32>
    %sub3A_207 = arith.subf %add3A_203, %mul3A_206 : vector<16x1024xf32>
    %lt3A_208 = arith.cmpf olt, %sub3A_207, %select_n3A_186 : vector<16x1024xf32>
    %select_n3A_209 = arith.select %lt3A_208, %sub3A_207, %select_n3A_186 : vector<16x1024xi1>, vector<16x1024xf32>
    %jit3A_210 = arith.constant 6 : i32
    %broadcast_in_dim3A_211 = vector.broadcast %jit3A_210 : i32 to vector<16x1024xi32>
    %select_n3A_212 = arith.select %lt3A_208, %broadcast_in_dim3A_211, %select_n3A_189 : vector<16x1024xi1>, vector<16x1024xi32>
    %slice3A_213 = vector.extract_strided_slice %convert_element_type3A_31 {offsets = [7, 0], sizes = [1, 1024], strides = [1, 1]} : vector<16x1024xf32> to vector<1x1024xf32>
    %mul3A_214 = vector.broadcast %slice3A_213 : vector<1x1024xf32> to vector<16x1024xf32>
    %mul3A_215 = arith.mulf %mul3A_214, %convert_element_type3A_37 : vector<16x1024xf32>
    %slice3A_216 = vector.extract_strided_slice %convert_element_type3A_33 {offsets = [7, 0], sizes = [1, 1024], strides = [1, 1]} : vector<16x1024xf32> to vector<1x1024xf32>
    %mul3A_217 = vector.broadcast %slice3A_216 : vector<1x1024xf32> to vector<16x1024xf32>
    %mul3A_218 = arith.mulf %mul3A_217, %convert_element_type3A_39 : vector<16x1024xf32>
    %add3A_219 = arith.addf %mul3A_215, %mul3A_218 : vector<16x1024xf32>
    %slice3A_220 = vector.extract_strided_slice %convert_element_type3A_35 {offsets = [7, 0], sizes = [1, 1024], strides = [1, 1]} : vector<16x1024xf32> to vector<1x1024xf32>
    %mul3A_221 = vector.broadcast %slice3A_220 : vector<1x1024xf32> to vector<16x1024xf32>
    %mul3A_222 = arith.mulf %mul3A_221, %convert_element_type3A_41 : vector<16x1024xf32>
    %add3A_223 = arith.addf %add3A_219, %mul3A_222 : vector<16x1024xf32>
    %slice3A_224 = vector.extract_strided_slice %add3A_46 {offsets = [7, 0], sizes = [1, 1024], strides = [1, 1]} : vector<16x1024xf32> to vector<1x1024xf32>
    %add3A_225 = vector.broadcast %slice3A_224 : vector<1x1024xf32> to vector<16x1024xf32>
    %add3A_226 = arith.addf %add3A_225, %add3A_51 : vector<16x1024xf32>
    %mul3A_227 = arith.constant 2.000000e+00 : f32
    %mul3A_228 = vector.broadcast %mul3A_227 : f32 to vector<16x1024xf32>
    %mul3A_229 = arith.mulf %mul3A_228, %add3A_223 : vector<16x1024xf32>
    %sub3A_230 = arith.subf %add3A_226, %mul3A_229 : vector<16x1024xf32>
    %lt3A_231 = arith.cmpf olt, %sub3A_230, %select_n3A_209 : vector<16x1024xf32>
    %select_n3A_232 = arith.select %lt3A_231, %sub3A_230, %select_n3A_209 : vector<16x1024xi1>, vector<16x1024xf32>
    %jit3A_233 = arith.constant 7 : i32
    %broadcast_in_dim3A_234 = vector.broadcast %jit3A_233 : i32 to vector<16x1024xi32>
    %select_n3A_235 = arith.select %lt3A_231, %broadcast_in_dim3A_234, %select_n3A_212 : vector<16x1024xi1>, vector<16x1024xi32>
    %slice3A_236 = vector.extract_strided_slice %convert_element_type3A_31 {offsets = [8, 0], sizes = [1, 1024], strides = [1, 1]} : vector<16x1024xf32> to vector<1x1024xf32>
    %mul3A_237 = vector.broadcast %slice3A_236 : vector<1x1024xf32> to vector<16x1024xf32>
    %mul3A_238 = arith.mulf %mul3A_237, %convert_element_type3A_37 : vector<16x1024xf32>
    %slice3A_239 = vector.extract_strided_slice %convert_element_type3A_33 {offsets = [8, 0], sizes = [1, 1024], strides = [1, 1]} : vector<16x1024xf32> to vector<1x1024xf32>
    %mul3A_240 = vector.broadcast %slice3A_239 : vector<1x1024xf32> to vector<16x1024xf32>
    %mul3A_241 = arith.mulf %mul3A_240, %convert_element_type3A_39 : vector<16x1024xf32>
    %add3A_242 = arith.addf %mul3A_238, %mul3A_241 : vector<16x1024xf32>
    %slice3A_243 = vector.extract_strided_slice %convert_element_type3A_35 {offsets = [8, 0], sizes = [1, 1024], strides = [1, 1]} : vector<16x1024xf32> to vector<1x1024xf32>
    %mul3A_244 = vector.broadcast %slice3A_243 : vector<1x1024xf32> to vector<16x1024xf32>
    %mul3A_245 = arith.mulf %mul3A_244, %convert_element_type3A_41 : vector<16x1024xf32>
    %add3A_246 = arith.addf %add3A_242, %mul3A_245 : vector<16x1024xf32>
    %slice3A_247 = vector.extract_strided_slice %add3A_46 {offsets = [8, 0], sizes = [1, 1024], strides = [1, 1]} : vector<16x1024xf32> to vector<1x1024xf32>
    %add3A_248 = vector.broadcast %slice3A_247 : vector<1x1024xf32> to vector<16x1024xf32>
    %add3A_249 = arith.addf %add3A_248, %add3A_51 : vector<16x1024xf32>
    %mul3A_250 = arith.constant 2.000000e+00 : f32
    %mul3A_251 = vector.broadcast %mul3A_250 : f32 to vector<16x1024xf32>
    %mul3A_252 = arith.mulf %mul3A_251, %add3A_246 : vector<16x1024xf32>
    %sub3A_253 = arith.subf %add3A_249, %mul3A_252 : vector<16x1024xf32>
    %lt3A_254 = arith.cmpf olt, %sub3A_253, %select_n3A_232 : vector<16x1024xf32>
    %select_n3A_255 = arith.select %lt3A_254, %sub3A_253, %select_n3A_232 : vector<16x1024xi1>, vector<16x1024xf32>
    %jit3A_256 = arith.constant 8 : i32
    %broadcast_in_dim3A_257 = vector.broadcast %jit3A_256 : i32 to vector<16x1024xi32>
    %select_n3A_258 = arith.select %lt3A_254, %broadcast_in_dim3A_257, %select_n3A_235 : vector<16x1024xi1>, vector<16x1024xi32>
    %slice3A_259 = vector.extract_strided_slice %convert_element_type3A_31 {offsets = [9, 0], sizes = [1, 1024], strides = [1, 1]} : vector<16x1024xf32> to vector<1x1024xf32>
    %mul3A_260 = vector.broadcast %slice3A_259 : vector<1x1024xf32> to vector<16x1024xf32>
    %mul3A_261 = arith.mulf %mul3A_260, %convert_element_type3A_37 : vector<16x1024xf32>
    %slice3A_262 = vector.extract_strided_slice %convert_element_type3A_33 {offsets = [9, 0], sizes = [1, 1024], strides = [1, 1]} : vector<16x1024xf32> to vector<1x1024xf32>
    %mul3A_263 = vector.broadcast %slice3A_262 : vector<1x1024xf32> to vector<16x1024xf32>
    %mul3A_264 = arith.mulf %mul3A_263, %convert_element_type3A_39 : vector<16x1024xf32>
    %add3A_265 = arith.addf %mul3A_261, %mul3A_264 : vector<16x1024xf32>
    %slice3A_266 = vector.extract_strided_slice %convert_element_type3A_35 {offsets = [9, 0], sizes = [1, 1024], strides = [1, 1]} : vector<16x1024xf32> to vector<1x1024xf32>
    %mul3A_267 = vector.broadcast %slice3A_266 : vector<1x1024xf32> to vector<16x1024xf32>
    %mul3A_268 = arith.mulf %mul3A_267, %convert_element_type3A_41 : vector<16x1024xf32>
    %add3A_269 = arith.addf %add3A_265, %mul3A_268 : vector<16x1024xf32>
    %slice3A_270 = vector.extract_strided_slice %add3A_46 {offsets = [9, 0], sizes = [1, 1024], strides = [1, 1]} : vector<16x1024xf32> to vector<1x1024xf32>
    %add3A_271 = vector.broadcast %slice3A_270 : vector<1x1024xf32> to vector<16x1024xf32>
    %add3A_272 = arith.addf %add3A_271, %add3A_51 : vector<16x1024xf32>
    %mul3A_273 = arith.constant 2.000000e+00 : f32
    %mul3A_274 = vector.broadcast %mul3A_273 : f32 to vector<16x1024xf32>
    %mul3A_275 = arith.mulf %mul3A_274, %add3A_269 : vector<16x1024xf32>
    %sub3A_276 = arith.subf %add3A_272, %mul3A_275 : vector<16x1024xf32>
    %lt3A_277 = arith.cmpf olt, %sub3A_276, %select_n3A_255 : vector<16x1024xf32>
    %select_n3A_278 = arith.select %lt3A_277, %sub3A_276, %select_n3A_255 : vector<16x1024xi1>, vector<16x1024xf32>
    %jit3A_279 = arith.constant 9 : i32
    %broadcast_in_dim3A_280 = vector.broadcast %jit3A_279 : i32 to vector<16x1024xi32>
    %select_n3A_281 = arith.select %lt3A_277, %broadcast_in_dim3A_280, %select_n3A_258 : vector<16x1024xi1>, vector<16x1024xi32>
    %slice3A_282 = vector.extract_strided_slice %convert_element_type3A_31 {offsets = [10, 0], sizes = [1, 1024], strides = [1, 1]} : vector<16x1024xf32> to vector<1x1024xf32>
    %mul3A_283 = vector.broadcast %slice3A_282 : vector<1x1024xf32> to vector<16x1024xf32>
    %mul3A_284 = arith.mulf %mul3A_283, %convert_element_type3A_37 : vector<16x1024xf32>
    %slice3A_285 = vector.extract_strided_slice %convert_element_type3A_33 {offsets = [10, 0], sizes = [1, 1024], strides = [1, 1]} : vector<16x1024xf32> to vector<1x1024xf32>
    %mul3A_286 = vector.broadcast %slice3A_285 : vector<1x1024xf32> to vector<16x1024xf32>
    %mul3A_287 = arith.mulf %mul3A_286, %convert_element_type3A_39 : vector<16x1024xf32>
    %add3A_288 = arith.addf %mul3A_284, %mul3A_287 : vector<16x1024xf32>
    %slice3A_289 = vector.extract_strided_slice %convert_element_type3A_35 {offsets = [10, 0], sizes = [1, 1024], strides = [1, 1]} : vector<16x1024xf32> to vector<1x1024xf32>
    %mul3A_290 = vector.broadcast %slice3A_289 : vector<1x1024xf32> to vector<16x1024xf32>
    %mul3A_291 = arith.mulf %mul3A_290, %convert_element_type3A_41 : vector<16x1024xf32>
    %add3A_292 = arith.addf %add3A_288, %mul3A_291 : vector<16x1024xf32>
    %slice3A_293 = vector.extract_strided_slice %add3A_46 {offsets = [10, 0], sizes = [1, 1024], strides = [1, 1]} : vector<16x1024xf32> to vector<1x1024xf32>
    %add3A_294 = vector.broadcast %slice3A_293 : vector<1x1024xf32> to vector<16x1024xf32>
    %add3A_295 = arith.addf %add3A_294, %add3A_51 : vector<16x1024xf32>
    %mul3A_296 = arith.constant 2.000000e+00 : f32
    %mul3A_297 = vector.broadcast %mul3A_296 : f32 to vector<16x1024xf32>
    %mul3A_298 = arith.mulf %mul3A_297, %add3A_292 : vector<16x1024xf32>
    %sub3A_299 = arith.subf %add3A_295, %mul3A_298 : vector<16x1024xf32>
    %lt3A_300 = arith.cmpf olt, %sub3A_299, %select_n3A_278 : vector<16x1024xf32>
    %select_n3A_301 = arith.select %lt3A_300, %sub3A_299, %select_n3A_278 : vector<16x1024xi1>, vector<16x1024xf32>
    %jit3A_302 = arith.constant 10 : i32
    %broadcast_in_dim3A_303 = vector.broadcast %jit3A_302 : i32 to vector<16x1024xi32>
    %select_n3A_304 = arith.select %lt3A_300, %broadcast_in_dim3A_303, %select_n3A_281 : vector<16x1024xi1>, vector<16x1024xi32>
    %slice3A_305 = vector.extract_strided_slice %convert_element_type3A_31 {offsets = [11, 0], sizes = [1, 1024], strides = [1, 1]} : vector<16x1024xf32> to vector<1x1024xf32>
    %mul3A_306 = vector.broadcast %slice3A_305 : vector<1x1024xf32> to vector<16x1024xf32>
    %mul3A_307 = arith.mulf %mul3A_306, %convert_element_type3A_37 : vector<16x1024xf32>
    %slice3A_308 = vector.extract_strided_slice %convert_element_type3A_33 {offsets = [11, 0], sizes = [1, 1024], strides = [1, 1]} : vector<16x1024xf32> to vector<1x1024xf32>
    %mul3A_309 = vector.broadcast %slice3A_308 : vector<1x1024xf32> to vector<16x1024xf32>
    %mul3A_310 = arith.mulf %mul3A_309, %convert_element_type3A_39 : vector<16x1024xf32>
    %add3A_311 = arith.addf %mul3A_307, %mul3A_310 : vector<16x1024xf32>
    %slice3A_312 = vector.extract_strided_slice %convert_element_type3A_35 {offsets = [11, 0], sizes = [1, 1024], strides = [1, 1]} : vector<16x1024xf32> to vector<1x1024xf32>
    %mul3A_313 = vector.broadcast %slice3A_312 : vector<1x1024xf32> to vector<16x1024xf32>
    %mul3A_314 = arith.mulf %mul3A_313, %convert_element_type3A_41 : vector<16x1024xf32>
    %add3A_315 = arith.addf %add3A_311, %mul3A_314 : vector<16x1024xf32>
    %slice3A_316 = vector.extract_strided_slice %add3A_46 {offsets = [11, 0], sizes = [1, 1024], strides = [1, 1]} : vector<16x1024xf32> to vector<1x1024xf32>
    %add3A_317 = vector.broadcast %slice3A_316 : vector<1x1024xf32> to vector<16x1024xf32>
    %add3A_318 = arith.addf %add3A_317, %add3A_51 : vector<16x1024xf32>
    %mul3A_319 = arith.constant 2.000000e+00 : f32
    %mul3A_320 = vector.broadcast %mul3A_319 : f32 to vector<16x1024xf32>
    %mul3A_321 = arith.mulf %mul3A_320, %add3A_315 : vector<16x1024xf32>
    %sub3A_322 = arith.subf %add3A_318, %mul3A_321 : vector<16x1024xf32>
    %lt3A_323 = arith.cmpf olt, %sub3A_322, %select_n3A_301 : vector<16x1024xf32>
    %select_n3A_324 = arith.select %lt3A_323, %sub3A_322, %select_n3A_301 : vector<16x1024xi1>, vector<16x1024xf32>
    %jit3A_325 = arith.constant 11 : i32
    %broadcast_in_dim3A_326 = vector.broadcast %jit3A_325 : i32 to vector<16x1024xi32>
    %select_n3A_327 = arith.select %lt3A_323, %broadcast_in_dim3A_326, %select_n3A_304 : vector<16x1024xi1>, vector<16x1024xi32>
    %slice3A_328 = vector.extract_strided_slice %convert_element_type3A_31 {offsets = [12, 0], sizes = [1, 1024], strides = [1, 1]} : vector<16x1024xf32> to vector<1x1024xf32>
    %mul3A_329 = vector.broadcast %slice3A_328 : vector<1x1024xf32> to vector<16x1024xf32>
    %mul3A_330 = arith.mulf %mul3A_329, %convert_element_type3A_37 : vector<16x1024xf32>
    %slice3A_331 = vector.extract_strided_slice %convert_element_type3A_33 {offsets = [12, 0], sizes = [1, 1024], strides = [1, 1]} : vector<16x1024xf32> to vector<1x1024xf32>
    %mul3A_332 = vector.broadcast %slice3A_331 : vector<1x1024xf32> to vector<16x1024xf32>
    %mul3A_333 = arith.mulf %mul3A_332, %convert_element_type3A_39 : vector<16x1024xf32>
    %add3A_334 = arith.addf %mul3A_330, %mul3A_333 : vector<16x1024xf32>
    %slice3A_335 = vector.extract_strided_slice %convert_element_type3A_35 {offsets = [12, 0], sizes = [1, 1024], strides = [1, 1]} : vector<16x1024xf32> to vector<1x1024xf32>
    %mul3A_336 = vector.broadcast %slice3A_335 : vector<1x1024xf32> to vector<16x1024xf32>
    %mul3A_337 = arith.mulf %mul3A_336, %convert_element_type3A_41 : vector<16x1024xf32>
    %add3A_338 = arith.addf %add3A_334, %mul3A_337 : vector<16x1024xf32>
    %slice3A_339 = vector.extract_strided_slice %add3A_46 {offsets = [12, 0], sizes = [1, 1024], strides = [1, 1]} : vector<16x1024xf32> to vector<1x1024xf32>
    %add3A_340 = vector.broadcast %slice3A_339 : vector<1x1024xf32> to vector<16x1024xf32>
    %add3A_341 = arith.addf %add3A_340, %add3A_51 : vector<16x1024xf32>
    %mul3A_342 = arith.constant 2.000000e+00 : f32
    %mul3A_343 = vector.broadcast %mul3A_342 : f32 to vector<16x1024xf32>
    %mul3A_344 = arith.mulf %mul3A_343, %add3A_338 : vector<16x1024xf32>
    %sub3A_345 = arith.subf %add3A_341, %mul3A_344 : vector<16x1024xf32>
    %lt3A_346 = arith.cmpf olt, %sub3A_345, %select_n3A_324 : vector<16x1024xf32>
    %select_n3A_347 = arith.select %lt3A_346, %sub3A_345, %select_n3A_324 : vector<16x1024xi1>, vector<16x1024xf32>
    %jit3A_348 = arith.constant 12 : i32
    %broadcast_in_dim3A_349 = vector.broadcast %jit3A_348 : i32 to vector<16x1024xi32>
    %select_n3A_350 = arith.select %lt3A_346, %broadcast_in_dim3A_349, %select_n3A_327 : vector<16x1024xi1>, vector<16x1024xi32>
    %slice3A_351 = vector.extract_strided_slice %convert_element_type3A_31 {offsets = [13, 0], sizes = [1, 1024], strides = [1, 1]} : vector<16x1024xf32> to vector<1x1024xf32>
    %mul3A_352 = vector.broadcast %slice3A_351 : vector<1x1024xf32> to vector<16x1024xf32>
    %mul3A_353 = arith.mulf %mul3A_352, %convert_element_type3A_37 : vector<16x1024xf32>
    %slice3A_354 = vector.extract_strided_slice %convert_element_type3A_33 {offsets = [13, 0], sizes = [1, 1024], strides = [1, 1]} : vector<16x1024xf32> to vector<1x1024xf32>
    %mul3A_355 = vector.broadcast %slice3A_354 : vector<1x1024xf32> to vector<16x1024xf32>
    %mul3A_356 = arith.mulf %mul3A_355, %convert_element_type3A_39 : vector<16x1024xf32>
    %add3A_357 = arith.addf %mul3A_353, %mul3A_356 : vector<16x1024xf32>
    %slice3A_358 = vector.extract_strided_slice %convert_element_type3A_35 {offsets = [13, 0], sizes = [1, 1024], strides = [1, 1]} : vector<16x1024xf32> to vector<1x1024xf32>
    %mul3A_359 = vector.broadcast %slice3A_358 : vector<1x1024xf32> to vector<16x1024xf32>
    %mul3A_360 = arith.mulf %mul3A_359, %convert_element_type3A_41 : vector<16x1024xf32>
    %add3A_361 = arith.addf %add3A_357, %mul3A_360 : vector<16x1024xf32>
    %slice3A_362 = vector.extract_strided_slice %add3A_46 {offsets = [13, 0], sizes = [1, 1024], strides = [1, 1]} : vector<16x1024xf32> to vector<1x1024xf32>
    %add3A_363 = vector.broadcast %slice3A_362 : vector<1x1024xf32> to vector<16x1024xf32>
    %add3A_364 = arith.addf %add3A_363, %add3A_51 : vector<16x1024xf32>
    %mul3A_365 = arith.constant 2.000000e+00 : f32
    %mul3A_366 = vector.broadcast %mul3A_365 : f32 to vector<16x1024xf32>
    %mul3A_367 = arith.mulf %mul3A_366, %add3A_361 : vector<16x1024xf32>
    %sub3A_368 = arith.subf %add3A_364, %mul3A_367 : vector<16x1024xf32>
    %lt3A_369 = arith.cmpf olt, %sub3A_368, %select_n3A_347 : vector<16x1024xf32>
    %select_n3A_370 = arith.select %lt3A_369, %sub3A_368, %select_n3A_347 : vector<16x1024xi1>, vector<16x1024xf32>
    %jit3A_371 = arith.constant 13 : i32
    %broadcast_in_dim3A_372 = vector.broadcast %jit3A_371 : i32 to vector<16x1024xi32>
    %select_n3A_373 = arith.select %lt3A_369, %broadcast_in_dim3A_372, %select_n3A_350 : vector<16x1024xi1>, vector<16x1024xi32>
    %slice3A_374 = vector.extract_strided_slice %convert_element_type3A_31 {offsets = [14, 0], sizes = [1, 1024], strides = [1, 1]} : vector<16x1024xf32> to vector<1x1024xf32>
    %mul3A_375 = vector.broadcast %slice3A_374 : vector<1x1024xf32> to vector<16x1024xf32>
    %mul3A_376 = arith.mulf %mul3A_375, %convert_element_type3A_37 : vector<16x1024xf32>
    %slice3A_377 = vector.extract_strided_slice %convert_element_type3A_33 {offsets = [14, 0], sizes = [1, 1024], strides = [1, 1]} : vector<16x1024xf32> to vector<1x1024xf32>
    %mul3A_378 = vector.broadcast %slice3A_377 : vector<1x1024xf32> to vector<16x1024xf32>
    %mul3A_379 = arith.mulf %mul3A_378, %convert_element_type3A_39 : vector<16x1024xf32>
    %add3A_380 = arith.addf %mul3A_376, %mul3A_379 : vector<16x1024xf32>
    %slice3A_381 = vector.extract_strided_slice %convert_element_type3A_35 {offsets = [14, 0], sizes = [1, 1024], strides = [1, 1]} : vector<16x1024xf32> to vector<1x1024xf32>
    %mul3A_382 = vector.broadcast %slice3A_381 : vector<1x1024xf32> to vector<16x1024xf32>
    %mul3A_383 = arith.mulf %mul3A_382, %convert_element_type3A_41 : vector<16x1024xf32>
    %add3A_384 = arith.addf %add3A_380, %mul3A_383 : vector<16x1024xf32>
    %slice3A_385 = vector.extract_strided_slice %add3A_46 {offsets = [14, 0], sizes = [1, 1024], strides = [1, 1]} : vector<16x1024xf32> to vector<1x1024xf32>
    %add3A_386 = vector.broadcast %slice3A_385 : vector<1x1024xf32> to vector<16x1024xf32>
    %add3A_387 = arith.addf %add3A_386, %add3A_51 : vector<16x1024xf32>
    %mul3A_388 = arith.constant 2.000000e+00 : f32
    %mul3A_389 = vector.broadcast %mul3A_388 : f32 to vector<16x1024xf32>
    %mul3A_390 = arith.mulf %mul3A_389, %add3A_384 : vector<16x1024xf32>
    %sub3A_391 = arith.subf %add3A_387, %mul3A_390 : vector<16x1024xf32>
    %lt3A_392 = arith.cmpf olt, %sub3A_391, %select_n3A_370 : vector<16x1024xf32>
    %select_n3A_393 = arith.select %lt3A_392, %sub3A_391, %select_n3A_370 : vector<16x1024xi1>, vector<16x1024xf32>
    %jit3A_394 = arith.constant 14 : i32
    %broadcast_in_dim3A_395 = vector.broadcast %jit3A_394 : i32 to vector<16x1024xi32>
    %select_n3A_396 = arith.select %lt3A_392, %broadcast_in_dim3A_395, %select_n3A_373 : vector<16x1024xi1>, vector<16x1024xi32>
    %slice3A_397 = vector.extract_strided_slice %convert_element_type3A_31 {offsets = [15, 0], sizes = [1, 1024], strides = [1, 1]} : vector<16x1024xf32> to vector<1x1024xf32>
    %mul3A_398 = vector.broadcast %slice3A_397 : vector<1x1024xf32> to vector<16x1024xf32>
    %mul3A_399 = arith.mulf %mul3A_398, %convert_element_type3A_37 : vector<16x1024xf32>
    %slice3A_400 = vector.extract_strided_slice %convert_element_type3A_33 {offsets = [15, 0], sizes = [1, 1024], strides = [1, 1]} : vector<16x1024xf32> to vector<1x1024xf32>
    %mul3A_401 = vector.broadcast %slice3A_400 : vector<1x1024xf32> to vector<16x1024xf32>
    %mul3A_402 = arith.mulf %mul3A_401, %convert_element_type3A_39 : vector<16x1024xf32>
    %add3A_403 = arith.addf %mul3A_399, %mul3A_402 : vector<16x1024xf32>
    %slice3A_404 = vector.extract_strided_slice %convert_element_type3A_35 {offsets = [15, 0], sizes = [1, 1024], strides = [1, 1]} : vector<16x1024xf32> to vector<1x1024xf32>
    %mul3A_405 = vector.broadcast %slice3A_404 : vector<1x1024xf32> to vector<16x1024xf32>
    %mul3A_406 = arith.mulf %mul3A_405, %convert_element_type3A_41 : vector<16x1024xf32>
    %add3A_407 = arith.addf %add3A_403, %mul3A_406 : vector<16x1024xf32>
    %slice3A_408 = vector.extract_strided_slice %add3A_46 {offsets = [15, 0], sizes = [1, 1024], strides = [1, 1]} : vector<16x1024xf32> to vector<1x1024xf32>
    %add3A_409 = vector.broadcast %slice3A_408 : vector<1x1024xf32> to vector<16x1024xf32>
    %add3A_410 = arith.addf %add3A_409, %add3A_51 : vector<16x1024xf32>
    %mul3A_411 = arith.constant 2.000000e+00 : f32
    %mul3A_412 = vector.broadcast %mul3A_411 : f32 to vector<16x1024xf32>
    %mul3A_413 = arith.mulf %mul3A_412, %add3A_407 : vector<16x1024xf32>
    %sub3A_414 = arith.subf %add3A_410, %mul3A_413 : vector<16x1024xf32>
    %lt3A_415 = arith.cmpf olt, %sub3A_414, %select_n3A_393 : vector<16x1024xf32>
    %select_n3A_416 = arith.select %lt3A_415, %sub3A_414, %select_n3A_393 : vector<16x1024xi1>, vector<16x1024xf32>
    %jit3A_417 = arith.constant 15 : i32
    %broadcast_in_dim3A_418 = vector.broadcast %jit3A_417 : i32 to vector<16x1024xi32>
    %select_n3A_419 = arith.select %lt3A_415, %broadcast_in_dim3A_418, %select_n3A_396 : vector<16x1024xi1>, vector<16x1024xi32>
    %iota3A_420 = tpu.iota {dimensions = array<i32: 0>} : vector<16x1024xi32>
    %mul3A_421 = arith.constant 16 : i32
    %mul3A_422 = vector.broadcast %mul3A_421 : i32 to vector<16x1024xi32>
    %mul3A_423 = arith.muli %select_n3A_419, %mul3A_422 : vector<16x1024xi32>
    %add3A_424 = arith.addi %mul3A_423, %iota3A_420 : vector<16x1024xi32>
    %reduce_min3A = arith.constant dense<0x7F800000> : vector<1024xf32>
    %reduce_min3A_425 = vector.multi_reduction <minimumf>, %select_n3A_416, %reduce_min3A [0] : vector<16x1024xf32> to vector<1024xf32>
    %broadcast_in_dim3A_426 = vector.shape_cast %reduce_min3A_425 : vector<1024xf32> to vector<1x1024xf32>
    %eq3A_427 = vector.broadcast %broadcast_in_dim3A_426 : vector<1x1024xf32> to vector<16x1024xf32>
    %eq3A_428 = arith.cmpf oeq, %select_n3A_416, %eq3A_427 : vector<16x1024xf32>
    %jit3A_429 = arith.constant 1048576 : i32
    %broadcast_in_dim3A_430 = vector.broadcast %jit3A_429 : i32 to vector<16x1024xi32>
    %select_n3A_431 = arith.select %eq3A_428, %add3A_424, %broadcast_in_dim3A_430 : vector<16x1024xi1>, vector<16x1024xi32>
    %reduce_min3A_432 = arith.constant dense<2147483647> : vector<1024xi32>
    %reduce_min3A_433 = vector.multi_reduction <minsi>, %select_n3A_431, %reduce_min3A_432 [0] : vector<16x1024xi32> to vector<1024xi32>
    %broadcast_in_dim3A_434 = vector.shape_cast %reduce_min3A_433 : vector<1024xi32> to vector<1x1024xi32>
    %shift_right_arithmetic3A_435 = arith.constant 4 : i32
    %shift_right_arithmetic3A_436 = vector.broadcast %shift_right_arithmetic3A_435 : i32 to vector<1x1024xi32>
    %shift_right_arithmetic3A_437 = arith.shrsi %broadcast_in_dim3A_434, %shift_right_arithmetic3A_436 : vector<1x1024xi32>
    %and3A_438 = arith.constant 15 : i32
    %and3A_439 = vector.broadcast %and3A_438 : i32 to vector<1x1024xi32>
    %and3A_440 = arith.andi %broadcast_in_dim3A_434, %and3A_439 : vector<1x1024xi32>
    %eq3A_441 = vector.broadcast %shift_right_arithmetic3A_437 : vector<1x1024xi32> to vector<16x1024xi32>
    %eq3A_442 = arith.cmpi eq, %iota3A_420, %eq3A_441 : vector<16x1024xi32>
    %convert_element_type3A_443 = arith.extui %eq3A_442 : vector<16x1024xi1> to vector<16x1024xi32>
    %convert_element_type3A_444 = arith.sitofp %convert_element_type3A_443 : vector<16x1024xi32> to vector<16x1024xf32>
    %eq3A_445 = vector.broadcast %and3A_440 : vector<1x1024xi32> to vector<16x1024xi32>
    %eq3A_446 = arith.cmpi eq, %iota3A_420, %eq3A_445 : vector<16x1024xi32>
    %convert_element_type3A_447 = arith.extui %eq3A_446 : vector<16x1024xi1> to vector<16x1024xi32>
    %convert_element_type3A_448 = arith.sitofp %convert_element_type3A_447 : vector<16x1024xi32> to vector<16x1024xf32>
    %mul3A_449 = arith.mulf %convert_element_type3A_444, %slice3A : vector<16x1024xf32>
    %reduce_sum3A = arith.constant dense<0.000000e+00> : vector<1024xf32>
    %reduce_sum3A_450 = vector.multi_reduction <add>, %mul3A_449, %reduce_sum3A [0] : vector<16x1024xf32> to vector<1024xf32>
    %broadcast_in_dim3A_451 = vector.shape_cast %reduce_sum3A_450 : vector<1024xf32> to vector<1x1024xf32>
    %mul3A_452 = arith.mulf %convert_element_type3A_444, %slice3A_25 : vector<16x1024xf32>
    %reduce_sum3A_453 = arith.constant dense<0.000000e+00> : vector<1024xf32>
    %reduce_sum3A_454 = vector.multi_reduction <add>, %mul3A_452, %reduce_sum3A_453 [0] : vector<16x1024xf32> to vector<1024xf32>
    %broadcast_in_dim3A_455 = vector.shape_cast %reduce_sum3A_454 : vector<1024xf32> to vector<1x1024xf32>
    %mul3A_456 = arith.mulf %convert_element_type3A_444, %slice3A_26 : vector<16x1024xf32>
    %reduce_sum3A_457 = arith.constant dense<0.000000e+00> : vector<1024xf32>
    %reduce_sum3A_458 = vector.multi_reduction <add>, %mul3A_456, %reduce_sum3A_457 [0] : vector<16x1024xf32> to vector<1024xf32>
    %broadcast_in_dim3A_459 = vector.shape_cast %reduce_sum3A_458 : vector<1024xf32> to vector<1x1024xf32>
    %mul3A_460 = arith.mulf %convert_element_type3A_448, %slice3A_27 : vector<16x1024xf32>
    %reduce_sum3A_461 = arith.constant dense<0.000000e+00> : vector<1024xf32>
    %reduce_sum3A_462 = vector.multi_reduction <add>, %mul3A_460, %reduce_sum3A_461 [0] : vector<16x1024xf32> to vector<1024xf32>
    %broadcast_in_dim3A_463 = vector.shape_cast %reduce_sum3A_462 : vector<1024xf32> to vector<1x1024xf32>
    %mul3A_464 = arith.mulf %convert_element_type3A_448, %slice3A_28 : vector<16x1024xf32>
    %reduce_sum3A_465 = arith.constant dense<0.000000e+00> : vector<1024xf32>
    %reduce_sum3A_466 = vector.multi_reduction <add>, %mul3A_464, %reduce_sum3A_465 [0] : vector<16x1024xf32> to vector<1024xf32>
    %broadcast_in_dim3A_467 = vector.shape_cast %reduce_sum3A_466 : vector<1024xf32> to vector<1x1024xf32>
    %mul3A_468 = arith.mulf %convert_element_type3A_448, %slice3A_29 : vector<16x1024xf32>
    %reduce_sum3A_469 = arith.constant dense<0.000000e+00> : vector<1024xf32>
    %reduce_sum3A_470 = vector.multi_reduction <add>, %mul3A_468, %reduce_sum3A_469 [0] : vector<16x1024xf32> to vector<1024xf32>
    %broadcast_in_dim3A_471 = vector.shape_cast %reduce_sum3A_470 : vector<1024xf32> to vector<1x1024xf32>
    %sub3A_472 = arith.subf %broadcast_in_dim3A_451, %broadcast_in_dim3A_463 : vector<1x1024xf32>
    %sub3A_473 = arith.subf %broadcast_in_dim3A_455, %broadcast_in_dim3A_467 : vector<1x1024xf32>
    %sub3A_474 = arith.subf %broadcast_in_dim3A_459, %broadcast_in_dim3A_471 : vector<1x1024xf32>
    %mul3A_475 = arith.mulf %sub3A_472, %sub3A_472 : vector<1x1024xf32>
    %mul3A_476 = arith.mulf %sub3A_473, %sub3A_473 : vector<1x1024xf32>
    %add3A_477 = arith.addf %mul3A_475, %mul3A_476 : vector<1x1024xf32>
    %mul3A_478 = arith.mulf %sub3A_474, %sub3A_474 : vector<1x1024xf32>
    %add3A_479 = arith.addf %add3A_477, %mul3A_478 : vector<1x1024xf32>
    %sqrt3A = math.sqrt %add3A_479 : vector<1x1024xf32>
    %gt3A = arith.constant 0.000000e+00 : f32
    %gt3A_480 = vector.broadcast %gt3A : f32 to vector<1x1024xf32>
    %gt3A_481 = arith.cmpf ogt, %sqrt3A, %gt3A_480 : vector<1x1024xf32>
    %jit3A_482 = arith.constant 1.000000e+00 : f32
    %broadcast_in_dim3A_483 = vector.broadcast %jit3A_482 : f32 to vector<1x1024xf32>
    %select_n3A_484 = arith.select %gt3A_481, %sqrt3A, %broadcast_in_dim3A_483 : vector<1x1024xi1>, vector<1x1024xf32>
    %div3A = arith.divf %sub3A_472, %select_n3A_484 : vector<1x1024xf32>
    %select_n3A_485 = arith.select %gt3A_481, %div3A, %sub3A_472 : vector<1x1024xi1>, vector<1x1024xf32>
    %div3A_486 = arith.divf %sub3A_473, %select_n3A_484 : vector<1x1024xf32>
    %select_n3A_487 = arith.select %gt3A_481, %div3A_486, %sub3A_473 : vector<1x1024xi1>, vector<1x1024xf32>
    %div3A_488 = arith.divf %sub3A_474, %select_n3A_484 : vector<1x1024xf32>
    %select_n3A_489 = arith.select %gt3A_481, %div3A_488, %sub3A_474 : vector<1x1024xi1>, vector<1x1024xf32>
    %mul3A_490 = arith.mulf %select_n3A_485, %select_n3A_485 : vector<1x1024xf32>
    %mul3A_491 = arith.mulf %select_n3A_485, %select_n3A_487 : vector<1x1024xf32>
    %mul3A_492 = arith.mulf %select_n3A_485, %select_n3A_489 : vector<1x1024xf32>
    %mul3A_493 = arith.mulf %select_n3A_487, %select_n3A_485 : vector<1x1024xf32>
    %mul3A_494 = arith.mulf %select_n3A_487, %select_n3A_487 : vector<1x1024xf32>
    %mul3A_495 = arith.mulf %select_n3A_487, %select_n3A_489 : vector<1x1024xf32>
    %mul3A_496 = arith.mulf %select_n3A_489, %select_n3A_485 : vector<1x1024xf32>
    %mul3A_497 = arith.mulf %select_n3A_489, %select_n3A_487 : vector<1x1024xf32>
    %mul3A_498 = arith.mulf %select_n3A_489, %select_n3A_489 : vector<1x1024xf32>
    %concatenate3A_499 = tpu.concatenate %broadcast_in_dim3A_451, %broadcast_in_dim3A_455, %broadcast_in_dim3A_459, %broadcast_in_dim3A_463, %broadcast_in_dim3A_467, %broadcast_in_dim3A_471, %select_n3A_485, %select_n3A_487, %select_n3A_489, %sqrt3A, %mul3A_490, %mul3A_491, %mul3A_492, %mul3A_493, %mul3A_494, %mul3A_495, %mul3A_496, %mul3A_497, %mul3A_498 in 0 : vector<1x1024xf32>, vector<1x1024xf32>, vector<1x1024xf32>, vector<1x1024xf32>, vector<1x1024xf32>, vector<1x1024xf32>, vector<1x1024xf32>, vector<1x1024xf32>, vector<1x1024xf32>, vector<1x1024xf32>, vector<1x1024xf32>, vector<1x1024xf32>, vector<1x1024xf32>, vector<1x1024xf32>, vector<1x1024xf32>, vector<1x1024xf32>, vector<1x1024xf32>, vector<1x1024xf32>, vector<1x1024xf32> -> vector<19x1024xf32>
    %get3A_500 = arith.constant 0 : index
    %get3A_501 = arith.constant 0 : index
    %get3A_502 = vector.load %arg4[%get3A_500, %get3A_501] : memref<1024x128xf32, #tpu.memory_space<vmem>>, vector<1024x128xf32>
    %get3A_503 = arith.constant 0 : index
    %get3A_504 = arith.constant 0 : index
    %get3A_505 = vector.load %arg5[%get3A_503, %get3A_504] : memref<1024x128xf32, #tpu.memory_space<vmem>>, vector<1024x128xf32>
    %iota3A_506 = tpu.iota {dimensions = array<i32: 0>} : vector<128x64xi32>
    %iota3A_507 = tpu.iota {dimensions = array<i32: 1>} : vector<128x64xi32>
    %and3A_508 = arith.constant 15 : i32
    %and3A_509 = vector.broadcast %and3A_508 : i32 to vector<128x64xi32>
    %and3A_510 = arith.andi %iota3A_507, %and3A_509 : vector<128x64xi32>
    %mul3A_511 = arith.constant 8 : i32
    %mul3A_512 = vector.broadcast %mul3A_511 : i32 to vector<128x64xi32>
    %mul3A_513 = arith.muli %and3A_510, %mul3A_512 : vector<128x64xi32>
    %shift_right_arithmetic3A_514 = arith.constant 4 : i32
    %shift_right_arithmetic3A_515 = vector.broadcast %shift_right_arithmetic3A_514 : i32 to vector<128x64xi32>
    %shift_right_arithmetic3A_516 = arith.shrsi %iota3A_507, %shift_right_arithmetic3A_515 : vector<128x64xi32>
    %add3A_517 = arith.addi %mul3A_513, %shift_right_arithmetic3A_516 : vector<128x64xi32>
    %eq3A_518 = arith.cmpi eq, %iota3A_506, %add3A_517 : vector<128x64xi32>
    %shift_right_arithmetic3A_519 = arith.constant 4 : i32
    %shift_right_arithmetic3A_520 = vector.broadcast %shift_right_arithmetic3A_519 : i32 to vector<128x64xi32>
    %shift_right_arithmetic3A_521 = arith.shrsi %iota3A_507, %shift_right_arithmetic3A_520 : vector<128x64xi32>
    %lt3A_522 = arith.constant 3 : i32
    %lt3A_523 = vector.broadcast %lt3A_522 : i32 to vector<128x64xi32>
    %lt3A_524 = arith.cmpi slt, %shift_right_arithmetic3A_521, %lt3A_523 : vector<128x64xi32>
    %and3A_525 = arith.andi %eq3A_518, %lt3A_524 : vector<128x64xi1>
    %convert_element_type3A_526 = arith.extui %and3A_525 : vector<128x64xi1> to vector<128x64xi32>
    %convert_element_type3A_527 = arith.sitofp %convert_element_type3A_526 : vector<128x64xi32> to vector<128x64xf32>
    %dot_general3A_528 = arith.constant dense<0.000000e+00> : vector<1024x64xf32>
    %dot_general3A_529 = tpu.matmul %get3A_502, %convert_element_type3A_527, %dot_general3A_528 {dimension_numbers = #tpu.dot_dimension_numbers<[1], [0], [0], [1], [0, 0, 1, 1], [], []>, precision = #tpu.contract_precision<fp32>, transpose_lhs_hint = false} : vector<1024x128xf32>, vector<128x64xf32>, vector<1024x64xf32> -> vector<1024x64xf32>
    %dot_general3A_530 = arith.constant dense<0.000000e+00> : vector<1024x64xf32>
    %dot_general3A_531 = tpu.matmul %get3A_505, %convert_element_type3A_527, %dot_general3A_530 {dimension_numbers = #tpu.dot_dimension_numbers<[1], [0], [0], [1], [0, 0, 1, 1], [], []>, precision = #tpu.contract_precision<fp32>, transpose_lhs_hint = false} : vector<1024x128xf32>, vector<128x64xf32>, vector<1024x64xf32> -> vector<1024x64xf32>
    %concatenate3A_532 = tpu.concatenate %dot_general3A_529, %dot_general3A_531 in 1 : vector<1024x64xf32>, vector<1024x64xf32> -> vector<1024x128xf32>
    %transpose3A_533 = tpu.transpose %concatenate3A_532, [1, 0] : vector<1024x128xf32> -> vector<128x1024xf32>
    %slice3A_534 = vector.extract_strided_slice %transpose3A_533 {offsets = [0, 0], sizes = [16, 1024], strides = [1, 1]} : vector<128x1024xf32> to vector<16x1024xf32>
    %slice3A_535 = vector.extract_strided_slice %transpose3A_533 {offsets = [16, 0], sizes = [16, 1024], strides = [1, 1]} : vector<128x1024xf32> to vector<16x1024xf32>
    %slice3A_536 = vector.extract_strided_slice %transpose3A_533 {offsets = [32, 0], sizes = [16, 1024], strides = [1, 1]} : vector<128x1024xf32> to vector<16x1024xf32>
    %slice3A_537 = vector.extract_strided_slice %transpose3A_533 {offsets = [64, 0], sizes = [16, 1024], strides = [1, 1]} : vector<128x1024xf32> to vector<16x1024xf32>
    %slice3A_538 = vector.extract_strided_slice %transpose3A_533 {offsets = [80, 0], sizes = [16, 1024], strides = [1, 1]} : vector<128x1024xf32> to vector<16x1024xf32>
    %slice3A_539 = vector.extract_strided_slice %transpose3A_533 {offsets = [96, 0], sizes = [16, 1024], strides = [1, 1]} : vector<128x1024xf32> to vector<16x1024xf32>
    %convert_element_type3A_540 = arith.truncf %slice3A_534 : vector<16x1024xf32> to vector<16x1024xbf16>
    %convert_element_type3A_541 = arith.extf %convert_element_type3A_540 : vector<16x1024xbf16> to vector<16x1024xf32>
    %convert_element_type3A_542 = arith.truncf %slice3A_535 : vector<16x1024xf32> to vector<16x1024xbf16>
    %convert_element_type3A_543 = arith.extf %convert_element_type3A_542 : vector<16x1024xbf16> to vector<16x1024xf32>
    %convert_element_type3A_544 = arith.truncf %slice3A_536 : vector<16x1024xf32> to vector<16x1024xbf16>
    %convert_element_type3A_545 = arith.extf %convert_element_type3A_544 : vector<16x1024xbf16> to vector<16x1024xf32>
    %convert_element_type3A_546 = arith.truncf %slice3A_537 : vector<16x1024xf32> to vector<16x1024xbf16>
    %convert_element_type3A_547 = arith.extf %convert_element_type3A_546 : vector<16x1024xbf16> to vector<16x1024xf32>
    %convert_element_type3A_548 = arith.truncf %slice3A_538 : vector<16x1024xf32> to vector<16x1024xbf16>
    %convert_element_type3A_549 = arith.extf %convert_element_type3A_548 : vector<16x1024xbf16> to vector<16x1024xf32>
    %convert_element_type3A_550 = arith.truncf %slice3A_539 : vector<16x1024xf32> to vector<16x1024xbf16>
    %convert_element_type3A_551 = arith.extf %convert_element_type3A_550 : vector<16x1024xbf16> to vector<16x1024xf32>
    %mul3A_552 = arith.mulf %slice3A_534, %slice3A_534 : vector<16x1024xf32>
    %mul3A_553 = arith.mulf %slice3A_535, %slice3A_535 : vector<16x1024xf32>
    %add3A_554 = arith.addf %mul3A_552, %mul3A_553 : vector<16x1024xf32>
    %mul3A_555 = arith.mulf %slice3A_536, %slice3A_536 : vector<16x1024xf32>
    %add3A_556 = arith.addf %add3A_554, %mul3A_555 : vector<16x1024xf32>
    %mul3A_557 = arith.mulf %slice3A_537, %slice3A_537 : vector<16x1024xf32>
    %mul3A_558 = arith.mulf %slice3A_538, %slice3A_538 : vector<16x1024xf32>
    %add3A_559 = arith.addf %mul3A_557, %mul3A_558 : vector<16x1024xf32>
    %mul3A_560 = arith.mulf %slice3A_539, %slice3A_539 : vector<16x1024xf32>
    %add3A_561 = arith.addf %add3A_559, %mul3A_560 : vector<16x1024xf32>
    %broadcast_in_dim3A_562 = arith.constant 0x7F800000 : f32
    %broadcast_in_dim3A_563 = vector.broadcast %broadcast_in_dim3A_562 : f32 to vector<16x1024xf32>
    %broadcast_in_dim3A_564 = arith.constant 0 : i32
    %broadcast_in_dim3A_565 = vector.broadcast %broadcast_in_dim3A_564 : i32 to vector<16x1024xi32>
    %slice3A_566 = vector.extract_strided_slice %convert_element_type3A_541 {offsets = [0, 0], sizes = [1, 1024], strides = [1, 1]} : vector<16x1024xf32> to vector<1x1024xf32>
    %mul3A_567 = vector.broadcast %slice3A_566 : vector<1x1024xf32> to vector<16x1024xf32>
    %mul3A_568 = arith.mulf %mul3A_567, %convert_element_type3A_547 : vector<16x1024xf32>
    %slice3A_569 = vector.extract_strided_slice %convert_element_type3A_543 {offsets = [0, 0], sizes = [1, 1024], strides = [1, 1]} : vector<16x1024xf32> to vector<1x1024xf32>
    %mul3A_570 = vector.broadcast %slice3A_569 : vector<1x1024xf32> to vector<16x1024xf32>
    %mul3A_571 = arith.mulf %mul3A_570, %convert_element_type3A_549 : vector<16x1024xf32>
    %add3A_572 = arith.addf %mul3A_568, %mul3A_571 : vector<16x1024xf32>
    %slice3A_573 = vector.extract_strided_slice %convert_element_type3A_545 {offsets = [0, 0], sizes = [1, 1024], strides = [1, 1]} : vector<16x1024xf32> to vector<1x1024xf32>
    %mul3A_574 = vector.broadcast %slice3A_573 : vector<1x1024xf32> to vector<16x1024xf32>
    %mul3A_575 = arith.mulf %mul3A_574, %convert_element_type3A_551 : vector<16x1024xf32>
    %add3A_576 = arith.addf %add3A_572, %mul3A_575 : vector<16x1024xf32>
    %slice3A_577 = vector.extract_strided_slice %add3A_556 {offsets = [0, 0], sizes = [1, 1024], strides = [1, 1]} : vector<16x1024xf32> to vector<1x1024xf32>
    %add3A_578 = vector.broadcast %slice3A_577 : vector<1x1024xf32> to vector<16x1024xf32>
    %add3A_579 = arith.addf %add3A_578, %add3A_561 : vector<16x1024xf32>
    %mul3A_580 = arith.constant 2.000000e+00 : f32
    %mul3A_581 = vector.broadcast %mul3A_580 : f32 to vector<16x1024xf32>
    %mul3A_582 = arith.mulf %mul3A_581, %add3A_576 : vector<16x1024xf32>
    %sub3A_583 = arith.subf %add3A_579, %mul3A_582 : vector<16x1024xf32>
    %lt3A_584 = arith.cmpf olt, %sub3A_583, %broadcast_in_dim3A_563 : vector<16x1024xf32>
    %select_n3A_585 = arith.select %lt3A_584, %sub3A_583, %broadcast_in_dim3A_563 : vector<16x1024xi1>, vector<16x1024xf32>
    %jit3A_586 = arith.constant 0 : i32
    %broadcast_in_dim3A_587 = vector.broadcast %jit3A_586 : i32 to vector<16x1024xi32>
    %select_n3A_588 = arith.select %lt3A_584, %broadcast_in_dim3A_587, %broadcast_in_dim3A_565 : vector<16x1024xi1>, vector<16x1024xi32>
    %slice3A_589 = vector.extract_strided_slice %convert_element_type3A_541 {offsets = [1, 0], sizes = [1, 1024], strides = [1, 1]} : vector<16x1024xf32> to vector<1x1024xf32>
    %mul3A_590 = vector.broadcast %slice3A_589 : vector<1x1024xf32> to vector<16x1024xf32>
    %mul3A_591 = arith.mulf %mul3A_590, %convert_element_type3A_547 : vector<16x1024xf32>
    %slice3A_592 = vector.extract_strided_slice %convert_element_type3A_543 {offsets = [1, 0], sizes = [1, 1024], strides = [1, 1]} : vector<16x1024xf32> to vector<1x1024xf32>
    %mul3A_593 = vector.broadcast %slice3A_592 : vector<1x1024xf32> to vector<16x1024xf32>
    %mul3A_594 = arith.mulf %mul3A_593, %convert_element_type3A_549 : vector<16x1024xf32>
    %add3A_595 = arith.addf %mul3A_591, %mul3A_594 : vector<16x1024xf32>
    %slice3A_596 = vector.extract_strided_slice %convert_element_type3A_545 {offsets = [1, 0], sizes = [1, 1024], strides = [1, 1]} : vector<16x1024xf32> to vector<1x1024xf32>
    %mul3A_597 = vector.broadcast %slice3A_596 : vector<1x1024xf32> to vector<16x1024xf32>
    %mul3A_598 = arith.mulf %mul3A_597, %convert_element_type3A_551 : vector<16x1024xf32>
    %add3A_599 = arith.addf %add3A_595, %mul3A_598 : vector<16x1024xf32>
    %slice3A_600 = vector.extract_strided_slice %add3A_556 {offsets = [1, 0], sizes = [1, 1024], strides = [1, 1]} : vector<16x1024xf32> to vector<1x1024xf32>
    %add3A_601 = vector.broadcast %slice3A_600 : vector<1x1024xf32> to vector<16x1024xf32>
    %add3A_602 = arith.addf %add3A_601, %add3A_561 : vector<16x1024xf32>
    %mul3A_603 = arith.constant 2.000000e+00 : f32
    %mul3A_604 = vector.broadcast %mul3A_603 : f32 to vector<16x1024xf32>
    %mul3A_605 = arith.mulf %mul3A_604, %add3A_599 : vector<16x1024xf32>
    %sub3A_606 = arith.subf %add3A_602, %mul3A_605 : vector<16x1024xf32>
    %lt3A_607 = arith.cmpf olt, %sub3A_606, %select_n3A_585 : vector<16x1024xf32>
    %select_n3A_608 = arith.select %lt3A_607, %sub3A_606, %select_n3A_585 : vector<16x1024xi1>, vector<16x1024xf32>
    %jit3A_609 = arith.constant 1 : i32
    %broadcast_in_dim3A_610 = vector.broadcast %jit3A_609 : i32 to vector<16x1024xi32>
    %select_n3A_611 = arith.select %lt3A_607, %broadcast_in_dim3A_610, %select_n3A_588 : vector<16x1024xi1>, vector<16x1024xi32>
    %slice3A_612 = vector.extract_strided_slice %convert_element_type3A_541 {offsets = [2, 0], sizes = [1, 1024], strides = [1, 1]} : vector<16x1024xf32> to vector<1x1024xf32>
    %mul3A_613 = vector.broadcast %slice3A_612 : vector<1x1024xf32> to vector<16x1024xf32>
    %mul3A_614 = arith.mulf %mul3A_613, %convert_element_type3A_547 : vector<16x1024xf32>
    %slice3A_615 = vector.extract_strided_slice %convert_element_type3A_543 {offsets = [2, 0], sizes = [1, 1024], strides = [1, 1]} : vector<16x1024xf32> to vector<1x1024xf32>
    %mul3A_616 = vector.broadcast %slice3A_615 : vector<1x1024xf32> to vector<16x1024xf32>
    %mul3A_617 = arith.mulf %mul3A_616, %convert_element_type3A_549 : vector<16x1024xf32>
    %add3A_618 = arith.addf %mul3A_614, %mul3A_617 : vector<16x1024xf32>
    %slice3A_619 = vector.extract_strided_slice %convert_element_type3A_545 {offsets = [2, 0], sizes = [1, 1024], strides = [1, 1]} : vector<16x1024xf32> to vector<1x1024xf32>
    %mul3A_620 = vector.broadcast %slice3A_619 : vector<1x1024xf32> to vector<16x1024xf32>
    %mul3A_621 = arith.mulf %mul3A_620, %convert_element_type3A_551 : vector<16x1024xf32>
    %add3A_622 = arith.addf %add3A_618, %mul3A_621 : vector<16x1024xf32>
    %slice3A_623 = vector.extract_strided_slice %add3A_556 {offsets = [2, 0], sizes = [1, 1024], strides = [1, 1]} : vector<16x1024xf32> to vector<1x1024xf32>
    %add3A_624 = vector.broadcast %slice3A_623 : vector<1x1024xf32> to vector<16x1024xf32>
    %add3A_625 = arith.addf %add3A_624, %add3A_561 : vector<16x1024xf32>
    %mul3A_626 = arith.constant 2.000000e+00 : f32
    %mul3A_627 = vector.broadcast %mul3A_626 : f32 to vector<16x1024xf32>
    %mul3A_628 = arith.mulf %mul3A_627, %add3A_622 : vector<16x1024xf32>
    %sub3A_629 = arith.subf %add3A_625, %mul3A_628 : vector<16x1024xf32>
    %lt3A_630 = arith.cmpf olt, %sub3A_629, %select_n3A_608 : vector<16x1024xf32>
    %select_n3A_631 = arith.select %lt3A_630, %sub3A_629, %select_n3A_608 : vector<16x1024xi1>, vector<16x1024xf32>
    %jit3A_632 = arith.constant 2 : i32
    %broadcast_in_dim3A_633 = vector.broadcast %jit3A_632 : i32 to vector<16x1024xi32>
    %select_n3A_634 = arith.select %lt3A_630, %broadcast_in_dim3A_633, %select_n3A_611 : vector<16x1024xi1>, vector<16x1024xi32>
    %slice3A_635 = vector.extract_strided_slice %convert_element_type3A_541 {offsets = [3, 0], sizes = [1, 1024], strides = [1, 1]} : vector<16x1024xf32> to vector<1x1024xf32>
    %mul3A_636 = vector.broadcast %slice3A_635 : vector<1x1024xf32> to vector<16x1024xf32>
    %mul3A_637 = arith.mulf %mul3A_636, %convert_element_type3A_547 : vector<16x1024xf32>
    %slice3A_638 = vector.extract_strided_slice %convert_element_type3A_543 {offsets = [3, 0], sizes = [1, 1024], strides = [1, 1]} : vector<16x1024xf32> to vector<1x1024xf32>
    %mul3A_639 = vector.broadcast %slice3A_638 : vector<1x1024xf32> to vector<16x1024xf32>
    %mul3A_640 = arith.mulf %mul3A_639, %convert_element_type3A_549 : vector<16x1024xf32>
    %add3A_641 = arith.addf %mul3A_637, %mul3A_640 : vector<16x1024xf32>
    %slice3A_642 = vector.extract_strided_slice %convert_element_type3A_545 {offsets = [3, 0], sizes = [1, 1024], strides = [1, 1]} : vector<16x1024xf32> to vector<1x1024xf32>
    %mul3A_643 = vector.broadcast %slice3A_642 : vector<1x1024xf32> to vector<16x1024xf32>
    %mul3A_644 = arith.mulf %mul3A_643, %convert_element_type3A_551 : vector<16x1024xf32>
    %add3A_645 = arith.addf %add3A_641, %mul3A_644 : vector<16x1024xf32>
    %slice3A_646 = vector.extract_strided_slice %add3A_556 {offsets = [3, 0], sizes = [1, 1024], strides = [1, 1]} : vector<16x1024xf32> to vector<1x1024xf32>
    %add3A_647 = vector.broadcast %slice3A_646 : vector<1x1024xf32> to vector<16x1024xf32>
    %add3A_648 = arith.addf %add3A_647, %add3A_561 : vector<16x1024xf32>
    %mul3A_649 = arith.constant 2.000000e+00 : f32
    %mul3A_650 = vector.broadcast %mul3A_649 : f32 to vector<16x1024xf32>
    %mul3A_651 = arith.mulf %mul3A_650, %add3A_645 : vector<16x1024xf32>
    %sub3A_652 = arith.subf %add3A_648, %mul3A_651 : vector<16x1024xf32>
    %lt3A_653 = arith.cmpf olt, %sub3A_652, %select_n3A_631 : vector<16x1024xf32>
    %select_n3A_654 = arith.select %lt3A_653, %sub3A_652, %select_n3A_631 : vector<16x1024xi1>, vector<16x1024xf32>
    %jit3A_655 = arith.constant 3 : i32
    %broadcast_in_dim3A_656 = vector.broadcast %jit3A_655 : i32 to vector<16x1024xi32>
    %select_n3A_657 = arith.select %lt3A_653, %broadcast_in_dim3A_656, %select_n3A_634 : vector<16x1024xi1>, vector<16x1024xi32>
    %slice3A_658 = vector.extract_strided_slice %convert_element_type3A_541 {offsets = [4, 0], sizes = [1, 1024], strides = [1, 1]} : vector<16x1024xf32> to vector<1x1024xf32>
    %mul3A_659 = vector.broadcast %slice3A_658 : vector<1x1024xf32> to vector<16x1024xf32>
    %mul3A_660 = arith.mulf %mul3A_659, %convert_element_type3A_547 : vector<16x1024xf32>
    %slice3A_661 = vector.extract_strided_slice %convert_element_type3A_543 {offsets = [4, 0], sizes = [1, 1024], strides = [1, 1]} : vector<16x1024xf32> to vector<1x1024xf32>
    %mul3A_662 = vector.broadcast %slice3A_661 : vector<1x1024xf32> to vector<16x1024xf32>
    %mul3A_663 = arith.mulf %mul3A_662, %convert_element_type3A_549 : vector<16x1024xf32>
    %add3A_664 = arith.addf %mul3A_660, %mul3A_663 : vector<16x1024xf32>
    %slice3A_665 = vector.extract_strided_slice %convert_element_type3A_545 {offsets = [4, 0], sizes = [1, 1024], strides = [1, 1]} : vector<16x1024xf32> to vector<1x1024xf32>
    %mul3A_666 = vector.broadcast %slice3A_665 : vector<1x1024xf32> to vector<16x1024xf32>
    %mul3A_667 = arith.mulf %mul3A_666, %convert_element_type3A_551 : vector<16x1024xf32>
    %add3A_668 = arith.addf %add3A_664, %mul3A_667 : vector<16x1024xf32>
    %slice3A_669 = vector.extract_strided_slice %add3A_556 {offsets = [4, 0], sizes = [1, 1024], strides = [1, 1]} : vector<16x1024xf32> to vector<1x1024xf32>
    %add3A_670 = vector.broadcast %slice3A_669 : vector<1x1024xf32> to vector<16x1024xf32>
    %add3A_671 = arith.addf %add3A_670, %add3A_561 : vector<16x1024xf32>
    %mul3A_672 = arith.constant 2.000000e+00 : f32
    %mul3A_673 = vector.broadcast %mul3A_672 : f32 to vector<16x1024xf32>
    %mul3A_674 = arith.mulf %mul3A_673, %add3A_668 : vector<16x1024xf32>
    %sub3A_675 = arith.subf %add3A_671, %mul3A_674 : vector<16x1024xf32>
    %lt3A_676 = arith.cmpf olt, %sub3A_675, %select_n3A_654 : vector<16x1024xf32>
    %select_n3A_677 = arith.select %lt3A_676, %sub3A_675, %select_n3A_654 : vector<16x1024xi1>, vector<16x1024xf32>
    %jit3A_678 = arith.constant 4 : i32
    %broadcast_in_dim3A_679 = vector.broadcast %jit3A_678 : i32 to vector<16x1024xi32>
    %select_n3A_680 = arith.select %lt3A_676, %broadcast_in_dim3A_679, %select_n3A_657 : vector<16x1024xi1>, vector<16x1024xi32>
    %slice3A_681 = vector.extract_strided_slice %convert_element_type3A_541 {offsets = [5, 0], sizes = [1, 1024], strides = [1, 1]} : vector<16x1024xf32> to vector<1x1024xf32>
    %mul3A_682 = vector.broadcast %slice3A_681 : vector<1x1024xf32> to vector<16x1024xf32>
    %mul3A_683 = arith.mulf %mul3A_682, %convert_element_type3A_547 : vector<16x1024xf32>
    %slice3A_684 = vector.extract_strided_slice %convert_element_type3A_543 {offsets = [5, 0], sizes = [1, 1024], strides = [1, 1]} : vector<16x1024xf32> to vector<1x1024xf32>
    %mul3A_685 = vector.broadcast %slice3A_684 : vector<1x1024xf32> to vector<16x1024xf32>
    %mul3A_686 = arith.mulf %mul3A_685, %convert_element_type3A_549 : vector<16x1024xf32>
    %add3A_687 = arith.addf %mul3A_683, %mul3A_686 : vector<16x1024xf32>
    %slice3A_688 = vector.extract_strided_slice %convert_element_type3A_545 {offsets = [5, 0], sizes = [1, 1024], strides = [1, 1]} : vector<16x1024xf32> to vector<1x1024xf32>
    %mul3A_689 = vector.broadcast %slice3A_688 : vector<1x1024xf32> to vector<16x1024xf32>
    %mul3A_690 = arith.mulf %mul3A_689, %convert_element_type3A_551 : vector<16x1024xf32>
    %add3A_691 = arith.addf %add3A_687, %mul3A_690 : vector<16x1024xf32>
    %slice3A_692 = vector.extract_strided_slice %add3A_556 {offsets = [5, 0], sizes = [1, 1024], strides = [1, 1]} : vector<16x1024xf32> to vector<1x1024xf32>
    %add3A_693 = vector.broadcast %slice3A_692 : vector<1x1024xf32> to vector<16x1024xf32>
    %add3A_694 = arith.addf %add3A_693, %add3A_561 : vector<16x1024xf32>
    %mul3A_695 = arith.constant 2.000000e+00 : f32
    %mul3A_696 = vector.broadcast %mul3A_695 : f32 to vector<16x1024xf32>
    %mul3A_697 = arith.mulf %mul3A_696, %add3A_691 : vector<16x1024xf32>
    %sub3A_698 = arith.subf %add3A_694, %mul3A_697 : vector<16x1024xf32>
    %lt3A_699 = arith.cmpf olt, %sub3A_698, %select_n3A_677 : vector<16x1024xf32>
    %select_n3A_700 = arith.select %lt3A_699, %sub3A_698, %select_n3A_677 : vector<16x1024xi1>, vector<16x1024xf32>
    %jit3A_701 = arith.constant 5 : i32
    %broadcast_in_dim3A_702 = vector.broadcast %jit3A_701 : i32 to vector<16x1024xi32>
    %select_n3A_703 = arith.select %lt3A_699, %broadcast_in_dim3A_702, %select_n3A_680 : vector<16x1024xi1>, vector<16x1024xi32>
    %slice3A_704 = vector.extract_strided_slice %convert_element_type3A_541 {offsets = [6, 0], sizes = [1, 1024], strides = [1, 1]} : vector<16x1024xf32> to vector<1x1024xf32>
    %mul3A_705 = vector.broadcast %slice3A_704 : vector<1x1024xf32> to vector<16x1024xf32>
    %mul3A_706 = arith.mulf %mul3A_705, %convert_element_type3A_547 : vector<16x1024xf32>
    %slice3A_707 = vector.extract_strided_slice %convert_element_type3A_543 {offsets = [6, 0], sizes = [1, 1024], strides = [1, 1]} : vector<16x1024xf32> to vector<1x1024xf32>
    %mul3A_708 = vector.broadcast %slice3A_707 : vector<1x1024xf32> to vector<16x1024xf32>
    %mul3A_709 = arith.mulf %mul3A_708, %convert_element_type3A_549 : vector<16x1024xf32>
    %add3A_710 = arith.addf %mul3A_706, %mul3A_709 : vector<16x1024xf32>
    %slice3A_711 = vector.extract_strided_slice %convert_element_type3A_545 {offsets = [6, 0], sizes = [1, 1024], strides = [1, 1]} : vector<16x1024xf32> to vector<1x1024xf32>
    %mul3A_712 = vector.broadcast %slice3A_711 : vector<1x1024xf32> to vector<16x1024xf32>
    %mul3A_713 = arith.mulf %mul3A_712, %convert_element_type3A_551 : vector<16x1024xf32>
    %add3A_714 = arith.addf %add3A_710, %mul3A_713 : vector<16x1024xf32>
    %slice3A_715 = vector.extract_strided_slice %add3A_556 {offsets = [6, 0], sizes = [1, 1024], strides = [1, 1]} : vector<16x1024xf32> to vector<1x1024xf32>
    %add3A_716 = vector.broadcast %slice3A_715 : vector<1x1024xf32> to vector<16x1024xf32>
    %add3A_717 = arith.addf %add3A_716, %add3A_561 : vector<16x1024xf32>
    %mul3A_718 = arith.constant 2.000000e+00 : f32
    %mul3A_719 = vector.broadcast %mul3A_718 : f32 to vector<16x1024xf32>
    %mul3A_720 = arith.mulf %mul3A_719, %add3A_714 : vector<16x1024xf32>
    %sub3A_721 = arith.subf %add3A_717, %mul3A_720 : vector<16x1024xf32>
    %lt3A_722 = arith.cmpf olt, %sub3A_721, %select_n3A_700 : vector<16x1024xf32>
    %select_n3A_723 = arith.select %lt3A_722, %sub3A_721, %select_n3A_700 : vector<16x1024xi1>, vector<16x1024xf32>
    %jit3A_724 = arith.constant 6 : i32
    %broadcast_in_dim3A_725 = vector.broadcast %jit3A_724 : i32 to vector<16x1024xi32>
    %select_n3A_726 = arith.select %lt3A_722, %broadcast_in_dim3A_725, %select_n3A_703 : vector<16x1024xi1>, vector<16x1024xi32>
    %slice3A_727 = vector.extract_strided_slice %convert_element_type3A_541 {offsets = [7, 0], sizes = [1, 1024], strides = [1, 1]} : vector<16x1024xf32> to vector<1x1024xf32>
    %mul3A_728 = vector.broadcast %slice3A_727 : vector<1x1024xf32> to vector<16x1024xf32>
    %mul3A_729 = arith.mulf %mul3A_728, %convert_element_type3A_547 : vector<16x1024xf32>
    %slice3A_730 = vector.extract_strided_slice %convert_element_type3A_543 {offsets = [7, 0], sizes = [1, 1024], strides = [1, 1]} : vector<16x1024xf32> to vector<1x1024xf32>
    %mul3A_731 = vector.broadcast %slice3A_730 : vector<1x1024xf32> to vector<16x1024xf32>
    %mul3A_732 = arith.mulf %mul3A_731, %convert_element_type3A_549 : vector<16x1024xf32>
    %add3A_733 = arith.addf %mul3A_729, %mul3A_732 : vector<16x1024xf32>
    %slice3A_734 = vector.extract_strided_slice %convert_element_type3A_545 {offsets = [7, 0], sizes = [1, 1024], strides = [1, 1]} : vector<16x1024xf32> to vector<1x1024xf32>
    %mul3A_735 = vector.broadcast %slice3A_734 : vector<1x1024xf32> to vector<16x1024xf32>
    %mul3A_736 = arith.mulf %mul3A_735, %convert_element_type3A_551 : vector<16x1024xf32>
    %add3A_737 = arith.addf %add3A_733, %mul3A_736 : vector<16x1024xf32>
    %slice3A_738 = vector.extract_strided_slice %add3A_556 {offsets = [7, 0], sizes = [1, 1024], strides = [1, 1]} : vector<16x1024xf32> to vector<1x1024xf32>
    %add3A_739 = vector.broadcast %slice3A_738 : vector<1x1024xf32> to vector<16x1024xf32>
    %add3A_740 = arith.addf %add3A_739, %add3A_561 : vector<16x1024xf32>
    %mul3A_741 = arith.constant 2.000000e+00 : f32
    %mul3A_742 = vector.broadcast %mul3A_741 : f32 to vector<16x1024xf32>
    %mul3A_743 = arith.mulf %mul3A_742, %add3A_737 : vector<16x1024xf32>
    %sub3A_744 = arith.subf %add3A_740, %mul3A_743 : vector<16x1024xf32>
    %lt3A_745 = arith.cmpf olt, %sub3A_744, %select_n3A_723 : vector<16x1024xf32>
    %select_n3A_746 = arith.select %lt3A_745, %sub3A_744, %select_n3A_723 : vector<16x1024xi1>, vector<16x1024xf32>
    %jit3A_747 = arith.constant 7 : i32
    %broadcast_in_dim3A_748 = vector.broadcast %jit3A_747 : i32 to vector<16x1024xi32>
    %select_n3A_749 = arith.select %lt3A_745, %broadcast_in_dim3A_748, %select_n3A_726 : vector<16x1024xi1>, vector<16x1024xi32>
    %slice3A_750 = vector.extract_strided_slice %convert_element_type3A_541 {offsets = [8, 0], sizes = [1, 1024], strides = [1, 1]} : vector<16x1024xf32> to vector<1x1024xf32>
    %mul3A_751 = vector.broadcast %slice3A_750 : vector<1x1024xf32> to vector<16x1024xf32>
    %mul3A_752 = arith.mulf %mul3A_751, %convert_element_type3A_547 : vector<16x1024xf32>
    %slice3A_753 = vector.extract_strided_slice %convert_element_type3A_543 {offsets = [8, 0], sizes = [1, 1024], strides = [1, 1]} : vector<16x1024xf32> to vector<1x1024xf32>
    %mul3A_754 = vector.broadcast %slice3A_753 : vector<1x1024xf32> to vector<16x1024xf32>
    %mul3A_755 = arith.mulf %mul3A_754, %convert_element_type3A_549 : vector<16x1024xf32>
    %add3A_756 = arith.addf %mul3A_752, %mul3A_755 : vector<16x1024xf32>
    %slice3A_757 = vector.extract_strided_slice %convert_element_type3A_545 {offsets = [8, 0], sizes = [1, 1024], strides = [1, 1]} : vector<16x1024xf32> to vector<1x1024xf32>
    %mul3A_758 = vector.broadcast %slice3A_757 : vector<1x1024xf32> to vector<16x1024xf32>
    %mul3A_759 = arith.mulf %mul3A_758, %convert_element_type3A_551 : vector<16x1024xf32>
    %add3A_760 = arith.addf %add3A_756, %mul3A_759 : vector<16x1024xf32>
    %slice3A_761 = vector.extract_strided_slice %add3A_556 {offsets = [8, 0], sizes = [1, 1024], strides = [1, 1]} : vector<16x1024xf32> to vector<1x1024xf32>
    %add3A_762 = vector.broadcast %slice3A_761 : vector<1x1024xf32> to vector<16x1024xf32>
    %add3A_763 = arith.addf %add3A_762, %add3A_561 : vector<16x1024xf32>
    %mul3A_764 = arith.constant 2.000000e+00 : f32
    %mul3A_765 = vector.broadcast %mul3A_764 : f32 to vector<16x1024xf32>
    %mul3A_766 = arith.mulf %mul3A_765, %add3A_760 : vector<16x1024xf32>
    %sub3A_767 = arith.subf %add3A_763, %mul3A_766 : vector<16x1024xf32>
    %lt3A_768 = arith.cmpf olt, %sub3A_767, %select_n3A_746 : vector<16x1024xf32>
    %select_n3A_769 = arith.select %lt3A_768, %sub3A_767, %select_n3A_746 : vector<16x1024xi1>, vector<16x1024xf32>
    %jit3A_770 = arith.constant 8 : i32
    %broadcast_in_dim3A_771 = vector.broadcast %jit3A_770 : i32 to vector<16x1024xi32>
    %select_n3A_772 = arith.select %lt3A_768, %broadcast_in_dim3A_771, %select_n3A_749 : vector<16x1024xi1>, vector<16x1024xi32>
    %slice3A_773 = vector.extract_strided_slice %convert_element_type3A_541 {offsets = [9, 0], sizes = [1, 1024], strides = [1, 1]} : vector<16x1024xf32> to vector<1x1024xf32>
    %mul3A_774 = vector.broadcast %slice3A_773 : vector<1x1024xf32> to vector<16x1024xf32>
    %mul3A_775 = arith.mulf %mul3A_774, %convert_element_type3A_547 : vector<16x1024xf32>
    %slice3A_776 = vector.extract_strided_slice %convert_element_type3A_543 {offsets = [9, 0], sizes = [1, 1024], strides = [1, 1]} : vector<16x1024xf32> to vector<1x1024xf32>
    %mul3A_777 = vector.broadcast %slice3A_776 : vector<1x1024xf32> to vector<16x1024xf32>
    %mul3A_778 = arith.mulf %mul3A_777, %convert_element_type3A_549 : vector<16x1024xf32>
    %add3A_779 = arith.addf %mul3A_775, %mul3A_778 : vector<16x1024xf32>
    %slice3A_780 = vector.extract_strided_slice %convert_element_type3A_545 {offsets = [9, 0], sizes = [1, 1024], strides = [1, 1]} : vector<16x1024xf32> to vector<1x1024xf32>
    %mul3A_781 = vector.broadcast %slice3A_780 : vector<1x1024xf32> to vector<16x1024xf32>
    %mul3A_782 = arith.mulf %mul3A_781, %convert_element_type3A_551 : vector<16x1024xf32>
    %add3A_783 = arith.addf %add3A_779, %mul3A_782 : vector<16x1024xf32>
    %slice3A_784 = vector.extract_strided_slice %add3A_556 {offsets = [9, 0], sizes = [1, 1024], strides = [1, 1]} : vector<16x1024xf32> to vector<1x1024xf32>
    %add3A_785 = vector.broadcast %slice3A_784 : vector<1x1024xf32> to vector<16x1024xf32>
    %add3A_786 = arith.addf %add3A_785, %add3A_561 : vector<16x1024xf32>
    %mul3A_787 = arith.constant 2.000000e+00 : f32
    %mul3A_788 = vector.broadcast %mul3A_787 : f32 to vector<16x1024xf32>
    %mul3A_789 = arith.mulf %mul3A_788, %add3A_783 : vector<16x1024xf32>
    %sub3A_790 = arith.subf %add3A_786, %mul3A_789 : vector<16x1024xf32>
    %lt3A_791 = arith.cmpf olt, %sub3A_790, %select_n3A_769 : vector<16x1024xf32>
    %select_n3A_792 = arith.select %lt3A_791, %sub3A_790, %select_n3A_769 : vector<16x1024xi1>, vector<16x1024xf32>
    %jit3A_793 = arith.constant 9 : i32
    %broadcast_in_dim3A_794 = vector.broadcast %jit3A_793 : i32 to vector<16x1024xi32>
    %select_n3A_795 = arith.select %lt3A_791, %broadcast_in_dim3A_794, %select_n3A_772 : vector<16x1024xi1>, vector<16x1024xi32>
    %slice3A_796 = vector.extract_strided_slice %convert_element_type3A_541 {offsets = [10, 0], sizes = [1, 1024], strides = [1, 1]} : vector<16x1024xf32> to vector<1x1024xf32>
    %mul3A_797 = vector.broadcast %slice3A_796 : vector<1x1024xf32> to vector<16x1024xf32>
    %mul3A_798 = arith.mulf %mul3A_797, %convert_element_type3A_547 : vector<16x1024xf32>
    %slice3A_799 = vector.extract_strided_slice %convert_element_type3A_543 {offsets = [10, 0], sizes = [1, 1024], strides = [1, 1]} : vector<16x1024xf32> to vector<1x1024xf32>
    %mul3A_800 = vector.broadcast %slice3A_799 : vector<1x1024xf32> to vector<16x1024xf32>
    %mul3A_801 = arith.mulf %mul3A_800, %convert_element_type3A_549 : vector<16x1024xf32>
    %add3A_802 = arith.addf %mul3A_798, %mul3A_801 : vector<16x1024xf32>
    %slice3A_803 = vector.extract_strided_slice %convert_element_type3A_545 {offsets = [10, 0], sizes = [1, 1024], strides = [1, 1]} : vector<16x1024xf32> to vector<1x1024xf32>
    %mul3A_804 = vector.broadcast %slice3A_803 : vector<1x1024xf32> to vector<16x1024xf32>
    %mul3A_805 = arith.mulf %mul3A_804, %convert_element_type3A_551 : vector<16x1024xf32>
    %add3A_806 = arith.addf %add3A_802, %mul3A_805 : vector<16x1024xf32>
    %slice3A_807 = vector.extract_strided_slice %add3A_556 {offsets = [10, 0], sizes = [1, 1024], strides = [1, 1]} : vector<16x1024xf32> to vector<1x1024xf32>
    %add3A_808 = vector.broadcast %slice3A_807 : vector<1x1024xf32> to vector<16x1024xf32>
    %add3A_809 = arith.addf %add3A_808, %add3A_561 : vector<16x1024xf32>
    %mul3A_810 = arith.constant 2.000000e+00 : f32
    %mul3A_811 = vector.broadcast %mul3A_810 : f32 to vector<16x1024xf32>
    %mul3A_812 = arith.mulf %mul3A_811, %add3A_806 : vector<16x1024xf32>
    %sub3A_813 = arith.subf %add3A_809, %mul3A_812 : vector<16x1024xf32>
    %lt3A_814 = arith.cmpf olt, %sub3A_813, %select_n3A_792 : vector<16x1024xf32>
    %select_n3A_815 = arith.select %lt3A_814, %sub3A_813, %select_n3A_792 : vector<16x1024xi1>, vector<16x1024xf32>
    %jit3A_816 = arith.constant 10 : i32
    %broadcast_in_dim3A_817 = vector.broadcast %jit3A_816 : i32 to vector<16x1024xi32>
    %select_n3A_818 = arith.select %lt3A_814, %broadcast_in_dim3A_817, %select_n3A_795 : vector<16x1024xi1>, vector<16x1024xi32>
    %slice3A_819 = vector.extract_strided_slice %convert_element_type3A_541 {offsets = [11, 0], sizes = [1, 1024], strides = [1, 1]} : vector<16x1024xf32> to vector<1x1024xf32>
    %mul3A_820 = vector.broadcast %slice3A_819 : vector<1x1024xf32> to vector<16x1024xf32>
    %mul3A_821 = arith.mulf %mul3A_820, %convert_element_type3A_547 : vector<16x1024xf32>
    %slice3A_822 = vector.extract_strided_slice %convert_element_type3A_543 {offsets = [11, 0], sizes = [1, 1024], strides = [1, 1]} : vector<16x1024xf32> to vector<1x1024xf32>
    %mul3A_823 = vector.broadcast %slice3A_822 : vector<1x1024xf32> to vector<16x1024xf32>
    %mul3A_824 = arith.mulf %mul3A_823, %convert_element_type3A_549 : vector<16x1024xf32>
    %add3A_825 = arith.addf %mul3A_821, %mul3A_824 : vector<16x1024xf32>
    %slice3A_826 = vector.extract_strided_slice %convert_element_type3A_545 {offsets = [11, 0], sizes = [1, 1024], strides = [1, 1]} : vector<16x1024xf32> to vector<1x1024xf32>
    %mul3A_827 = vector.broadcast %slice3A_826 : vector<1x1024xf32> to vector<16x1024xf32>
    %mul3A_828 = arith.mulf %mul3A_827, %convert_element_type3A_551 : vector<16x1024xf32>
    %add3A_829 = arith.addf %add3A_825, %mul3A_828 : vector<16x1024xf32>
    %slice3A_830 = vector.extract_strided_slice %add3A_556 {offsets = [11, 0], sizes = [1, 1024], strides = [1, 1]} : vector<16x1024xf32> to vector<1x1024xf32>
    %add3A_831 = vector.broadcast %slice3A_830 : vector<1x1024xf32> to vector<16x1024xf32>
    %add3A_832 = arith.addf %add3A_831, %add3A_561 : vector<16x1024xf32>
    %mul3A_833 = arith.constant 2.000000e+00 : f32
    %mul3A_834 = vector.broadcast %mul3A_833 : f32 to vector<16x1024xf32>
    %mul3A_835 = arith.mulf %mul3A_834, %add3A_829 : vector<16x1024xf32>
    %sub3A_836 = arith.subf %add3A_832, %mul3A_835 : vector<16x1024xf32>
    %lt3A_837 = arith.cmpf olt, %sub3A_836, %select_n3A_815 : vector<16x1024xf32>
    %select_n3A_838 = arith.select %lt3A_837, %sub3A_836, %select_n3A_815 : vector<16x1024xi1>, vector<16x1024xf32>
    %jit3A_839 = arith.constant 11 : i32
    %broadcast_in_dim3A_840 = vector.broadcast %jit3A_839 : i32 to vector<16x1024xi32>
    %select_n3A_841 = arith.select %lt3A_837, %broadcast_in_dim3A_840, %select_n3A_818 : vector<16x1024xi1>, vector<16x1024xi32>
    %slice3A_842 = vector.extract_strided_slice %convert_element_type3A_541 {offsets = [12, 0], sizes = [1, 1024], strides = [1, 1]} : vector<16x1024xf32> to vector<1x1024xf32>
    %mul3A_843 = vector.broadcast %slice3A_842 : vector<1x1024xf32> to vector<16x1024xf32>
    %mul3A_844 = arith.mulf %mul3A_843, %convert_element_type3A_547 : vector<16x1024xf32>
    %slice3A_845 = vector.extract_strided_slice %convert_element_type3A_543 {offsets = [12, 0], sizes = [1, 1024], strides = [1, 1]} : vector<16x1024xf32> to vector<1x1024xf32>
    %mul3A_846 = vector.broadcast %slice3A_845 : vector<1x1024xf32> to vector<16x1024xf32>
    %mul3A_847 = arith.mulf %mul3A_846, %convert_element_type3A_549 : vector<16x1024xf32>
    %add3A_848 = arith.addf %mul3A_844, %mul3A_847 : vector<16x1024xf32>
    %slice3A_849 = vector.extract_strided_slice %convert_element_type3A_545 {offsets = [12, 0], sizes = [1, 1024], strides = [1, 1]} : vector<16x1024xf32> to vector<1x1024xf32>
    %mul3A_850 = vector.broadcast %slice3A_849 : vector<1x1024xf32> to vector<16x1024xf32>
    %mul3A_851 = arith.mulf %mul3A_850, %convert_element_type3A_551 : vector<16x1024xf32>
    %add3A_852 = arith.addf %add3A_848, %mul3A_851 : vector<16x1024xf32>
    %slice3A_853 = vector.extract_strided_slice %add3A_556 {offsets = [12, 0], sizes = [1, 1024], strides = [1, 1]} : vector<16x1024xf32> to vector<1x1024xf32>
    %add3A_854 = vector.broadcast %slice3A_853 : vector<1x1024xf32> to vector<16x1024xf32>
    %add3A_855 = arith.addf %add3A_854, %add3A_561 : vector<16x1024xf32>
    %mul3A_856 = arith.constant 2.000000e+00 : f32
    %mul3A_857 = vector.broadcast %mul3A_856 : f32 to vector<16x1024xf32>
    %mul3A_858 = arith.mulf %mul3A_857, %add3A_852 : vector<16x1024xf32>
    %sub3A_859 = arith.subf %add3A_855, %mul3A_858 : vector<16x1024xf32>
    %lt3A_860 = arith.cmpf olt, %sub3A_859, %select_n3A_838 : vector<16x1024xf32>
    %select_n3A_861 = arith.select %lt3A_860, %sub3A_859, %select_n3A_838 : vector<16x1024xi1>, vector<16x1024xf32>
    %jit3A_862 = arith.constant 12 : i32
    %broadcast_in_dim3A_863 = vector.broadcast %jit3A_862 : i32 to vector<16x1024xi32>
    %select_n3A_864 = arith.select %lt3A_860, %broadcast_in_dim3A_863, %select_n3A_841 : vector<16x1024xi1>, vector<16x1024xi32>
    %slice3A_865 = vector.extract_strided_slice %convert_element_type3A_541 {offsets = [13, 0], sizes = [1, 1024], strides = [1, 1]} : vector<16x1024xf32> to vector<1x1024xf32>
    %mul3A_866 = vector.broadcast %slice3A_865 : vector<1x1024xf32> to vector<16x1024xf32>
    %mul3A_867 = arith.mulf %mul3A_866, %convert_element_type3A_547 : vector<16x1024xf32>
    %slice3A_868 = vector.extract_strided_slice %convert_element_type3A_543 {offsets = [13, 0], sizes = [1, 1024], strides = [1, 1]} : vector<16x1024xf32> to vector<1x1024xf32>
    %mul3A_869 = vector.broadcast %slice3A_868 : vector<1x1024xf32> to vector<16x1024xf32>
    %mul3A_870 = arith.mulf %mul3A_869, %convert_element_type3A_549 : vector<16x1024xf32>
    %add3A_871 = arith.addf %mul3A_867, %mul3A_870 : vector<16x1024xf32>
    %slice3A_872 = vector.extract_strided_slice %convert_element_type3A_545 {offsets = [13, 0], sizes = [1, 1024], strides = [1, 1]} : vector<16x1024xf32> to vector<1x1024xf32>
    %mul3A_873 = vector.broadcast %slice3A_872 : vector<1x1024xf32> to vector<16x1024xf32>
    %mul3A_874 = arith.mulf %mul3A_873, %convert_element_type3A_551 : vector<16x1024xf32>
    %add3A_875 = arith.addf %add3A_871, %mul3A_874 : vector<16x1024xf32>
    %slice3A_876 = vector.extract_strided_slice %add3A_556 {offsets = [13, 0], sizes = [1, 1024], strides = [1, 1]} : vector<16x1024xf32> to vector<1x1024xf32>
    %add3A_877 = vector.broadcast %slice3A_876 : vector<1x1024xf32> to vector<16x1024xf32>
    %add3A_878 = arith.addf %add3A_877, %add3A_561 : vector<16x1024xf32>
    %mul3A_879 = arith.constant 2.000000e+00 : f32
    %mul3A_880 = vector.broadcast %mul3A_879 : f32 to vector<16x1024xf32>
    %mul3A_881 = arith.mulf %mul3A_880, %add3A_875 : vector<16x1024xf32>
    %sub3A_882 = arith.subf %add3A_878, %mul3A_881 : vector<16x1024xf32>
    %lt3A_883 = arith.cmpf olt, %sub3A_882, %select_n3A_861 : vector<16x1024xf32>
    %select_n3A_884 = arith.select %lt3A_883, %sub3A_882, %select_n3A_861 : vector<16x1024xi1>, vector<16x1024xf32>
    %jit3A_885 = arith.constant 13 : i32
    %broadcast_in_dim3A_886 = vector.broadcast %jit3A_885 : i32 to vector<16x1024xi32>
    %select_n3A_887 = arith.select %lt3A_883, %broadcast_in_dim3A_886, %select_n3A_864 : vector<16x1024xi1>, vector<16x1024xi32>
    %slice3A_888 = vector.extract_strided_slice %convert_element_type3A_541 {offsets = [14, 0], sizes = [1, 1024], strides = [1, 1]} : vector<16x1024xf32> to vector<1x1024xf32>
    %mul3A_889 = vector.broadcast %slice3A_888 : vector<1x1024xf32> to vector<16x1024xf32>
    %mul3A_890 = arith.mulf %mul3A_889, %convert_element_type3A_547 : vector<16x1024xf32>
    %slice3A_891 = vector.extract_strided_slice %convert_element_type3A_543 {offsets = [14, 0], sizes = [1, 1024], strides = [1, 1]} : vector<16x1024xf32> to vector<1x1024xf32>
    %mul3A_892 = vector.broadcast %slice3A_891 : vector<1x1024xf32> to vector<16x1024xf32>
    %mul3A_893 = arith.mulf %mul3A_892, %convert_element_type3A_549 : vector<16x1024xf32>
    %add3A_894 = arith.addf %mul3A_890, %mul3A_893 : vector<16x1024xf32>
    %slice3A_895 = vector.extract_strided_slice %convert_element_type3A_545 {offsets = [14, 0], sizes = [1, 1024], strides = [1, 1]} : vector<16x1024xf32> to vector<1x1024xf32>
    %mul3A_896 = vector.broadcast %slice3A_895 : vector<1x1024xf32> to vector<16x1024xf32>
    %mul3A_897 = arith.mulf %mul3A_896, %convert_element_type3A_551 : vector<16x1024xf32>
    %add3A_898 = arith.addf %add3A_894, %mul3A_897 : vector<16x1024xf32>
    %slice3A_899 = vector.extract_strided_slice %add3A_556 {offsets = [14, 0], sizes = [1, 1024], strides = [1, 1]} : vector<16x1024xf32> to vector<1x1024xf32>
    %add3A_900 = vector.broadcast %slice3A_899 : vector<1x1024xf32> to vector<16x1024xf32>
    %add3A_901 = arith.addf %add3A_900, %add3A_561 : vector<16x1024xf32>
    %mul3A_902 = arith.constant 2.000000e+00 : f32
    %mul3A_903 = vector.broadcast %mul3A_902 : f32 to vector<16x1024xf32>
    %mul3A_904 = arith.mulf %mul3A_903, %add3A_898 : vector<16x1024xf32>
    %sub3A_905 = arith.subf %add3A_901, %mul3A_904 : vector<16x1024xf32>
    %lt3A_906 = arith.cmpf olt, %sub3A_905, %select_n3A_884 : vector<16x1024xf32>
    %select_n3A_907 = arith.select %lt3A_906, %sub3A_905, %select_n3A_884 : vector<16x1024xi1>, vector<16x1024xf32>
    %jit3A_908 = arith.constant 14 : i32
    %broadcast_in_dim3A_909 = vector.broadcast %jit3A_908 : i32 to vector<16x1024xi32>
    %select_n3A_910 = arith.select %lt3A_906, %broadcast_in_dim3A_909, %select_n3A_887 : vector<16x1024xi1>, vector<16x1024xi32>
    %slice3A_911 = vector.extract_strided_slice %convert_element_type3A_541 {offsets = [15, 0], sizes = [1, 1024], strides = [1, 1]} : vector<16x1024xf32> to vector<1x1024xf32>
    %mul3A_912 = vector.broadcast %slice3A_911 : vector<1x1024xf32> to vector<16x1024xf32>
    %mul3A_913 = arith.mulf %mul3A_912, %convert_element_type3A_547 : vector<16x1024xf32>
    %slice3A_914 = vector.extract_strided_slice %convert_element_type3A_543 {offsets = [15, 0], sizes = [1, 1024], strides = [1, 1]} : vector<16x1024xf32> to vector<1x1024xf32>
    %mul3A_915 = vector.broadcast %slice3A_914 : vector<1x1024xf32> to vector<16x1024xf32>
    %mul3A_916 = arith.mulf %mul3A_915, %convert_element_type3A_549 : vector<16x1024xf32>
    %add3A_917 = arith.addf %mul3A_913, %mul3A_916 : vector<16x1024xf32>
    %slice3A_918 = vector.extract_strided_slice %convert_element_type3A_545 {offsets = [15, 0], sizes = [1, 1024], strides = [1, 1]} : vector<16x1024xf32> to vector<1x1024xf32>
    %mul3A_919 = vector.broadcast %slice3A_918 : vector<1x1024xf32> to vector<16x1024xf32>
    %mul3A_920 = arith.mulf %mul3A_919, %convert_element_type3A_551 : vector<16x1024xf32>
    %add3A_921 = arith.addf %add3A_917, %mul3A_920 : vector<16x1024xf32>
    %slice3A_922 = vector.extract_strided_slice %add3A_556 {offsets = [15, 0], sizes = [1, 1024], strides = [1, 1]} : vector<16x1024xf32> to vector<1x1024xf32>
    %add3A_923 = vector.broadcast %slice3A_922 : vector<1x1024xf32> to vector<16x1024xf32>
    %add3A_924 = arith.addf %add3A_923, %add3A_561 : vector<16x1024xf32>
    %mul3A_925 = arith.constant 2.000000e+00 : f32
    %mul3A_926 = vector.broadcast %mul3A_925 : f32 to vector<16x1024xf32>
    %mul3A_927 = arith.mulf %mul3A_926, %add3A_921 : vector<16x1024xf32>
    %sub3A_928 = arith.subf %add3A_924, %mul3A_927 : vector<16x1024xf32>
    %lt3A_929 = arith.cmpf olt, %sub3A_928, %select_n3A_907 : vector<16x1024xf32>
    %select_n3A_930 = arith.select %lt3A_929, %sub3A_928, %select_n3A_907 : vector<16x1024xi1>, vector<16x1024xf32>
    %jit3A_931 = arith.constant 15 : i32
    %broadcast_in_dim3A_932 = vector.broadcast %jit3A_931 : i32 to vector<16x1024xi32>
    %select_n3A_933 = arith.select %lt3A_929, %broadcast_in_dim3A_932, %select_n3A_910 : vector<16x1024xi1>, vector<16x1024xi32>
    %iota3A_934 = tpu.iota {dimensions = array<i32: 0>} : vector<16x1024xi32>
    %mul3A_935 = arith.constant 16 : i32
    %mul3A_936 = vector.broadcast %mul3A_935 : i32 to vector<16x1024xi32>
    %mul3A_937 = arith.muli %select_n3A_933, %mul3A_936 : vector<16x1024xi32>
    %add3A_938 = arith.addi %mul3A_937, %iota3A_934 : vector<16x1024xi32>
    %reduce_min3A_939 = arith.constant dense<0x7F800000> : vector<1024xf32>
    %reduce_min3A_940 = vector.multi_reduction <minimumf>, %select_n3A_930, %reduce_min3A_939 [0] : vector<16x1024xf32> to vector<1024xf32>
    %broadcast_in_dim3A_941 = vector.shape_cast %reduce_min3A_940 : vector<1024xf32> to vector<1x1024xf32>
    %eq3A_942 = vector.broadcast %broadcast_in_dim3A_941 : vector<1x1024xf32> to vector<16x1024xf32>
    %eq3A_943 = arith.cmpf oeq, %select_n3A_930, %eq3A_942 : vector<16x1024xf32>
    %jit3A_944 = arith.constant 1048576 : i32
    %broadcast_in_dim3A_945 = vector.broadcast %jit3A_944 : i32 to vector<16x1024xi32>
    %select_n3A_946 = arith.select %eq3A_943, %add3A_938, %broadcast_in_dim3A_945 : vector<16x1024xi1>, vector<16x1024xi32>
    %reduce_min3A_947 = arith.constant dense<2147483647> : vector<1024xi32>
    %reduce_min3A_948 = vector.multi_reduction <minsi>, %select_n3A_946, %reduce_min3A_947 [0] : vector<16x1024xi32> to vector<1024xi32>
    %broadcast_in_dim3A_949 = vector.shape_cast %reduce_min3A_948 : vector<1024xi32> to vector<1x1024xi32>
    %shift_right_arithmetic3A_950 = arith.constant 4 : i32
    %shift_right_arithmetic3A_951 = vector.broadcast %shift_right_arithmetic3A_950 : i32 to vector<1x1024xi32>
    %shift_right_arithmetic3A_952 = arith.shrsi %broadcast_in_dim3A_949, %shift_right_arithmetic3A_951 : vector<1x1024xi32>
    %and3A_953 = arith.constant 15 : i32
    %and3A_954 = vector.broadcast %and3A_953 : i32 to vector<1x1024xi32>
    %and3A_955 = arith.andi %broadcast_in_dim3A_949, %and3A_954 : vector<1x1024xi32>
    %eq3A_956 = vector.broadcast %shift_right_arithmetic3A_952 : vector<1x1024xi32> to vector<16x1024xi32>
    %eq3A_957 = arith.cmpi eq, %iota3A_934, %eq3A_956 : vector<16x1024xi32>
    %convert_element_type3A_958 = arith.extui %eq3A_957 : vector<16x1024xi1> to vector<16x1024xi32>
    %convert_element_type3A_959 = arith.sitofp %convert_element_type3A_958 : vector<16x1024xi32> to vector<16x1024xf32>
    %eq3A_960 = vector.broadcast %and3A_955 : vector<1x1024xi32> to vector<16x1024xi32>
    %eq3A_961 = arith.cmpi eq, %iota3A_934, %eq3A_960 : vector<16x1024xi32>
    %convert_element_type3A_962 = arith.extui %eq3A_961 : vector<16x1024xi1> to vector<16x1024xi32>
    %convert_element_type3A_963 = arith.sitofp %convert_element_type3A_962 : vector<16x1024xi32> to vector<16x1024xf32>
    %mul3A_964 = arith.mulf %convert_element_type3A_959, %slice3A_534 : vector<16x1024xf32>
    %reduce_sum3A_965 = arith.constant dense<0.000000e+00> : vector<1024xf32>
    %reduce_sum3A_966 = vector.multi_reduction <add>, %mul3A_964, %reduce_sum3A_965 [0] : vector<16x1024xf32> to vector<1024xf32>
    %broadcast_in_dim3A_967 = vector.shape_cast %reduce_sum3A_966 : vector<1024xf32> to vector<1x1024xf32>
    %mul3A_968 = arith.mulf %convert_element_type3A_959, %slice3A_535 : vector<16x1024xf32>
    %reduce_sum3A_969 = arith.constant dense<0.000000e+00> : vector<1024xf32>
    %reduce_sum3A_970 = vector.multi_reduction <add>, %mul3A_968, %reduce_sum3A_969 [0] : vector<16x1024xf32> to vector<1024xf32>
    %broadcast_in_dim3A_971 = vector.shape_cast %reduce_sum3A_970 : vector<1024xf32> to vector<1x1024xf32>
    %mul3A_972 = arith.mulf %convert_element_type3A_959, %slice3A_536 : vector<16x1024xf32>
    %reduce_sum3A_973 = arith.constant dense<0.000000e+00> : vector<1024xf32>
    %reduce_sum3A_974 = vector.multi_reduction <add>, %mul3A_972, %reduce_sum3A_973 [0] : vector<16x1024xf32> to vector<1024xf32>
    %broadcast_in_dim3A_975 = vector.shape_cast %reduce_sum3A_974 : vector<1024xf32> to vector<1x1024xf32>
    %mul3A_976 = arith.mulf %convert_element_type3A_963, %slice3A_537 : vector<16x1024xf32>
    %reduce_sum3A_977 = arith.constant dense<0.000000e+00> : vector<1024xf32>
    %reduce_sum3A_978 = vector.multi_reduction <add>, %mul3A_976, %reduce_sum3A_977 [0] : vector<16x1024xf32> to vector<1024xf32>
    %broadcast_in_dim3A_979 = vector.shape_cast %reduce_sum3A_978 : vector<1024xf32> to vector<1x1024xf32>
    %mul3A_980 = arith.mulf %convert_element_type3A_963, %slice3A_538 : vector<16x1024xf32>
    %reduce_sum3A_981 = arith.constant dense<0.000000e+00> : vector<1024xf32>
    %reduce_sum3A_982 = vector.multi_reduction <add>, %mul3A_980, %reduce_sum3A_981 [0] : vector<16x1024xf32> to vector<1024xf32>
    %broadcast_in_dim3A_983 = vector.shape_cast %reduce_sum3A_982 : vector<1024xf32> to vector<1x1024xf32>
    %mul3A_984 = arith.mulf %convert_element_type3A_963, %slice3A_539 : vector<16x1024xf32>
    %reduce_sum3A_985 = arith.constant dense<0.000000e+00> : vector<1024xf32>
    %reduce_sum3A_986 = vector.multi_reduction <add>, %mul3A_984, %reduce_sum3A_985 [0] : vector<16x1024xf32> to vector<1024xf32>
    %broadcast_in_dim3A_987 = vector.shape_cast %reduce_sum3A_986 : vector<1024xf32> to vector<1x1024xf32>
    %sub3A_988 = arith.subf %broadcast_in_dim3A_967, %broadcast_in_dim3A_979 : vector<1x1024xf32>
    %sub3A_989 = arith.subf %broadcast_in_dim3A_971, %broadcast_in_dim3A_983 : vector<1x1024xf32>
    %sub3A_990 = arith.subf %broadcast_in_dim3A_975, %broadcast_in_dim3A_987 : vector<1x1024xf32>
    %mul3A_991 = arith.mulf %sub3A_988, %sub3A_988 : vector<1x1024xf32>
    %mul3A_992 = arith.mulf %sub3A_989, %sub3A_989 : vector<1x1024xf32>
    %add3A_993 = arith.addf %mul3A_991, %mul3A_992 : vector<1x1024xf32>
    %mul3A_994 = arith.mulf %sub3A_990, %sub3A_990 : vector<1x1024xf32>
    %add3A_995 = arith.addf %add3A_993, %mul3A_994 : vector<1x1024xf32>
    %sqrt3A_996 = math.sqrt %add3A_995 : vector<1x1024xf32>
    %gt3A_997 = arith.constant 0.000000e+00 : f32
    %gt3A_998 = vector.broadcast %gt3A_997 : f32 to vector<1x1024xf32>
    %gt3A_999 = arith.cmpf ogt, %sqrt3A_996, %gt3A_998 : vector<1x1024xf32>
    %jit3A_1000 = arith.constant 1.000000e+00 : f32
    %broadcast_in_dim3A_1001 = vector.broadcast %jit3A_1000 : f32 to vector<1x1024xf32>
    %select_n3A_1002 = arith.select %gt3A_999, %sqrt3A_996, %broadcast_in_dim3A_1001 : vector<1x1024xi1>, vector<1x1024xf32>
    %div3A_1003 = arith.divf %sub3A_988, %select_n3A_1002 : vector<1x1024xf32>
    %select_n3A_1004 = arith.select %gt3A_999, %div3A_1003, %sub3A_988 : vector<1x1024xi1>, vector<1x1024xf32>
    %div3A_1005 = arith.divf %sub3A_989, %select_n3A_1002 : vector<1x1024xf32>
    %select_n3A_1006 = arith.select %gt3A_999, %div3A_1005, %sub3A_989 : vector<1x1024xi1>, vector<1x1024xf32>
    %div3A_1007 = arith.divf %sub3A_990, %select_n3A_1002 : vector<1x1024xf32>
    %select_n3A_1008 = arith.select %gt3A_999, %div3A_1007, %sub3A_990 : vector<1x1024xi1>, vector<1x1024xf32>
    %mul3A_1009 = arith.mulf %select_n3A_1004, %select_n3A_1004 : vector<1x1024xf32>
    %mul3A_1010 = arith.mulf %select_n3A_1004, %select_n3A_1006 : vector<1x1024xf32>
    %mul3A_1011 = arith.mulf %select_n3A_1004, %select_n3A_1008 : vector<1x1024xf32>
    %mul3A_1012 = arith.mulf %select_n3A_1006, %select_n3A_1004 : vector<1x1024xf32>
    %mul3A_1013 = arith.mulf %select_n3A_1006, %select_n3A_1006 : vector<1x1024xf32>
    %mul3A_1014 = arith.mulf %select_n3A_1006, %select_n3A_1008 : vector<1x1024xf32>
    %mul3A_1015 = arith.mulf %select_n3A_1008, %select_n3A_1004 : vector<1x1024xf32>
    %mul3A_1016 = arith.mulf %select_n3A_1008, %select_n3A_1006 : vector<1x1024xf32>
    %mul3A_1017 = arith.mulf %select_n3A_1008, %select_n3A_1008 : vector<1x1024xf32>
    %concatenate3A_1018 = tpu.concatenate %broadcast_in_dim3A_967, %broadcast_in_dim3A_971, %broadcast_in_dim3A_975, %broadcast_in_dim3A_979, %broadcast_in_dim3A_983, %broadcast_in_dim3A_987, %select_n3A_1004, %select_n3A_1006, %select_n3A_1008, %sqrt3A_996, %mul3A_1009, %mul3A_1010, %mul3A_1011, %mul3A_1012, %mul3A_1013, %mul3A_1014, %mul3A_1015, %mul3A_1016, %mul3A_1017 in 0 : vector<1x1024xf32>, vector<1x1024xf32>, vector<1x1024xf32>, vector<1x1024xf32>, vector<1x1024xf32>, vector<1x1024xf32>, vector<1x1024xf32>, vector<1x1024xf32>, vector<1x1024xf32>, vector<1x1024xf32>, vector<1x1024xf32>, vector<1x1024xf32>, vector<1x1024xf32>, vector<1x1024xf32>, vector<1x1024xf32>, vector<1x1024xf32>, vector<1x1024xf32>, vector<1x1024xf32>, vector<1x1024xf32> -> vector<19x1024xf32>
    %swap3A = arith.constant 0 : index
    %swap3A_1019 = arith.constant 0 : index
    %swap3A_1020 = vector.load %arg6[%swap3A, %swap3A_1019] : memref<19x1024xf32, #tpu.memory_space<vmem>>, vector<19x1024xf32>
    tpu.vector_store %arg6[%swap3A, %swap3A_1019], %concatenate3A_499 {strides = array<i32>} : memref<19x1024xf32, #tpu.memory_space<vmem>>, vector<19x1024xf32>,
    %slice3A_1021 = vector.extract_strided_slice %concatenate3A_499 {offsets = [3, 0], sizes = [3, 1024], strides = [1, 1]} : vector<19x1024xf32> to vector<3x1024xf32>
    %slice3A_1022 = vector.extract_strided_slice %concatenate3A_499 {offsets = [0, 0], sizes = [3, 1024], strides = [1, 1]} : vector<19x1024xf32> to vector<3x1024xf32>
    %slice3A_1023 = vector.extract_strided_slice %concatenate3A_499 {offsets = [6, 0], sizes = [3, 1024], strides = [1, 1]} : vector<19x1024xf32> to vector<3x1024xf32>
    %neg3A = arith.constant 0.000000e+00 : f32
    %neg3A_1024 = vector.broadcast %neg3A : f32 to vector<3x1024xf32>
    %neg3A_1025 = arith.subf %neg3A_1024, %slice3A_1023 : vector<3x1024xf32>
    %slice3A_1026 = vector.extract_strided_slice %concatenate3A_499 {offsets = [9, 0], sizes = [10, 1024], strides = [1, 1]} : vector<19x1024xf32> to vector<10x1024xf32>
    %concatenate3A_1027 = tpu.concatenate %slice3A_1021, %slice3A_1022, %neg3A_1025, %slice3A_1026 in 0 : vector<3x1024xf32>, vector<3x1024xf32>, vector<3x1024xf32>, vector<10x1024xf32> -> vector<19x1024xf32>
    %gt3A_1028 = arith.constant 0 : i32
    %gt3A_1029 = arith.cmpi sgt, %get3A_1, %gt3A_1028 : i32
    %select_n3A_1030 = arith.select %gt3A_1029, %concatenate3A_1027, %concatenate3A_1018 : vector<19x1024xf32>
    %swap3A_1031 = arith.constant 0 : index
    %swap3A_1032 = arith.constant 0 : index
    %swap3A_1033 = vector.load %arg7[%swap3A_1031, %swap3A_1032] : memref<19x1024xf32, #tpu.memory_space<vmem>>, vector<19x1024xf32>
    tpu.vector_store %arg7[%swap3A_1031, %swap3A_1032], %select_n3A_1030 {strides = array<i32>} : memref<19x1024xf32, #tpu.memory_space<vmem>>, vector<19x1024xf32>,
    return
  }
  func.func @transform_0(%arg0: i32) -> (i32, i32) {
    %c0_i32 = arith.constant 0 : i32
    %c0_i32_0 = arith.constant 0 : i32
    %c0_i32_1 = arith.constant 0 : i32
    return %c0_i32, %c0_i32_0 : i32, i32
  }
  func.func @transform_1(%arg0: i32) -> (i32, i32) {
    %c0_i32 = arith.constant 0 : i32
    %c0_i32_0 = arith.constant 0 : i32
    return %arg0, %c0_i32 : i32, i32
  }
  func.func @transform_2(%arg0: i32) -> (i32, i32) {
    %add3A = arith.constant 128 : i32
    %add3A_0 = arith.addi %arg0, %add3A : i32
    %c0_i32 = arith.constant 0 : i32
    %c0_i32_1 = arith.constant 0 : i32
    return %add3A_0, %c0_i32 : i32, i32
  }
  func.func @transform_3(%arg0: i32) -> (i32, i32) {
    %add3A = arith.constant 64 : i32
    %add3A_0 = arith.addi %arg0, %add3A : i32
    %c0_i32 = arith.constant 0 : i32
    %c0_i32_1 = arith.constant 0 : i32
    return %add3A_0, %c0_i32 : i32, i32
  }
  func.func @transform_4(%arg0: i32) -> (i32, i32) {
    %add3A = arith.constant 128 : i32
    %add3A_0 = arith.addi %arg0, %add3A : i32
    %add3A_1 = arith.constant 64 : i32
    %add3A_2 = arith.addi %add3A_0, %add3A_1 : i32
    %c0_i32 = arith.constant 0 : i32
    %c0_i32_3 = arith.constant 0 : i32
    return %add3A_2, %c0_i32 : i32, i32
  }
  func.func @transform_5(%arg0: i32) -> (i32, i32) {
    %c0_i32 = arith.constant 0 : i32
    %c0_i32_0 = arith.constant 0 : i32
    return %c0_i32, %arg0 : i32, i32
  }
  func.func @transform_6(%arg0: i32) -> (i32, i32) {
    %c0_i32 = arith.constant 0 : i32
    %c0_i32_0 = arith.constant 0 : i32
    return %c0_i32, %arg0 : i32, i32
  }
}

</mosaic_0001>

<sc_bundles>
// kernel: kernel.4.cloned.1.call-start
scs
__scs_entry_jumppad:
0x0: {  	(pc) =	sbr.rel $0x88, $3  }
0x1: {  	(tag) =	ssettag $0x0;
	lr =	simm.s32 $0x1  }
0x2: {  	[smem:$0x3F9E] =	sst lr;
	_ =	strace $0xD0000000  }
0x3: {  	_ = 	snop  }
0x4: {  	_ = 	snop  }
0x5: {  	_ = 	snop  }
0x6: {  	_ = 	snop  }
0x7: {  	_ = 	snop  }
__scs_overlays_trampoline_lowered:
0x8: {  	[smem:$0x3FAD] =	sst s0  }
0x9: {  	[smem:$0x3FAE] =	sst s1  }
0xa: {  	[smem:$0x3FAF] =	sst s2  }
0xb: {  	[smem:$0x3FB0] =	sst s3  }
0xc: {  	[smem:$0x3FB1] =	sst s4  }
0xd: {  	[smem:$0x3FB2] =	sst s5  }
0xe: {  	[smem:$0x3FB3] =	sst s6  }
0xf: {  	[smem:$0x3FB4] =	sst s7  }
0x10: {  	[smem:$0x3FB5] =	sst s8  }
0x11: {  	[smem:$0x3FB6] =	sst s9;
	s0 =	simm.s32 @!p0 $0x0  }
0x12: {  	s1 =	sld [smem:$0x3F9C];
	s0 =	simm.s32 @p0 $0x1  }
0x13: {  	[smem:$0x3FB7] =	sst s0;
	s0 =	simm.s32 @!p1 $0x0  }
0x14: {  	s2 =	sld [smem:$0x3F9B];
	s0 =	simm.s32 @p1 $0x1  }
0x15: {  	[smem:$0x3FB8] =	sst s0;
	s0 =	simm.s32 @!p2 $0x0  }
0x16: {  	s3 =	sld [smem:$0x3FDB];
	s0 =	simm.s32 @p2 $0x1  }
0x17: {  	s4 =	simm.s32 $0x1BF5;
	[smem:$0x3FBA] =	sst s0  }
0x18: {  	s0 =	sld [smem:$0x3F9D];
	_ =	swait.ge [sflag:s4], $0x0  }
0x19: {  	s7 =	sld [smem:$0x3F9E]  }
0x1a: {  	s8 =	sadd.s32 $0xFFFFE003, lr  }
0x1b: {  	s9 =	sadd.s32 $0xFFFFFEF7, lr;
	s5 =	simm.s32 $0xFFFFFFFF;
	p2 =	slt.u32 s8, $0xFFFFF086  }
0x1c: {  	p1 =	slt.u32 s9, $0xF7A;
	s5 =	simm.s32 @!p2 $0x0  }
0x1d: {  	s5 =	simm.s32 @p1 $0x1;
	p0 =	seq.s32 s7, s2  }
0x1e: {  	s7 =	smul.u32 @!p0 $0xF7A, s2;
	p2 =	seq.s32 @!p0 s5, $0x0  }
0x1f: {  	s9 =	smul.u32 $0xF7A, s1;
	s8 =	simm.s32 @!p0 $0x1BF5;
	p2 =	por !p2, p0  }
0x20: {  	[sflag:s8] =	ssyncset.s32 @!p0 $0xFFFFF086;
	s6 =	sadd.s32 @!p0 s3, s7;
	s7 =	simm.s32 @!p0 $0x108  }
0x21: {  	s3 =	sadd.s32 s3, s9;
	s6 =	sadd.s32 @!p0 $0x88, s6;
	s7 =	simm.s32 @p2 $0x1082  }
0x22: {  	[simem:s7], [sflag:s8] =	dma.local @!p0 [hbm:s6], $0xF7A  }
0x23: {  	s9 =	sor.u32 $0xD0000000, s2;
	s6 =	simm.s32 $0x108;
	_ =	swait.ge @!p0 [sflag:s8], $0x0  }
0x24: {  	s3 =	sadd.s32 $0x88, s3;
	s6 =	simm.s32 @!p1 $0x1082;
	[sflag:s4] =	ssyncset.s32 $0xFFFFF086  }
0x25: {  	[simem:s6], [sflag:s4] =	dma.local [hbm:s3], $0xF7A  }
0x26: {  	[smem:$0x3F9E] =	sst s1;
	(tag) =	ssettag s2;
	_ =	strace s9  }
0x27: {  	s1 =	sld [smem:$0x3FAE]  }
0x28: {  	s2 =	sld [smem:$0x3FAF]  }
0x29: {  	s4 =	sld [smem:$0x3FB1]  }
0x2a: {  	p0 =	seq.s32 s5, $0x0;
	s5 =	sld [smem:$0x3FB2]  }
0x2b: {  	s6 =	sld [smem:$0x3FB3]  }
0x2c: {  	s7 =	sld [smem:$0x3FB4]  }
0x2d: {  	s3 =	simm.s32 $0x108;
	s8 =	sld [smem:$0x3FB5]  }
0x2e: {  	s3 =	simm.s32 @!p0 $0x1082;
	s9 =	sld [smem:$0x3FB6]  }
0x2f: {  	lr =	sadd.s32 s0, s3;
	s0 =	sld [smem:$0x3FAD]  }
0x30: {  	s3 =	sld [smem:$0x3FB0]  }
0x31: {  	[smem:$0x3FB9] =	sst s10  }
0x32: {  	s10 =	sld [smem:$0x3FB7];
	_ =	sdelay $0x3  }
0x33: {  	p0 =	seq.s32 s10, $0x1;
	s10 =	sld [smem:$0x3FB9];
	_ =	sdelay $0x3  }
0x34: {  	[smem:$0x3FB9] =	sst s10  }
0x35: {  	s10 =	sld [smem:$0x3FB8];
	_ =	sdelay $0x3  }
0x36: {  	p1 =	seq.s32 s10, $0x1;
	s10 =	sld [smem:$0x3FB9];
	_ =	sdelay $0x3  }
0x37: {  	[smem:$0x3FB9] =	sst s10  }
0x38: {  	s10 =	sld [smem:$0x3FBA]  }
0x39: {  	_ = 	snop;
	(pc) =	sbr.ind lr, $3  }
0x3a: {  	_ = 	snop  }
0x3b: {  	_ = 	snop  }
0x3c: {  	p2 =	seq.s32 s10, $0x1;
	s10 =	sld [smem:$0x3FB9]  }
0x3d: {  	_ =	shalt  }
0x3e: {  	_ =	shalt  }
0x3f: {  	_ =	shalt  }
0x40: {  	_ =	shalt  }
0x41: {  	_ =	shalt  }
0x42: {  	_ =	shalt  }
0x43: {  	_ =	shalt  }
0x44: {  	_ =	shalt  }
0x45: {  	_ =	shalt  }
0x46: {  	_ =	shalt  }
0x47: {  	_ =	shalt  }
0x48: {  	_ =	shalt  }
0x49: {  	_ =	shalt  }
0x4a: {  	_ =	shalt  }
0x4b: {  	_ =	shalt  }
0x4c: {  	_ =	shalt  }
0x4d: {  	_ =	shalt  }
0x4e: {  	_ =	shalt  }
0x4f: {  	_ =	shalt  }
0x50: {  	_ =	shalt  }
0x51: {  	_ =	shalt  }
0x52: {  	_ =	shalt  }
0x53: {  	_ =	shalt  }
0x54: {  	_ =	shalt  }
0x55: {  	_ =	shalt  }
0x56: {  	_ =	shalt  }
0x57: {  	_ =	shalt  }
0x58: {  	_ =	shalt  }
0x59: {  	_ =	shalt  }
0x5a: {  	_ =	shalt  }
0x5b: {  	_ =	shalt  }
0x5c: {  	_ =	shalt  }
0x5d: {  	_ =	shalt  }
0x5e: {  	_ =	shalt  }
0x5f: {  	_ =	shalt  }
0x60: {  	_ =	shalt  }
0x61: {  	_ =	shalt  }
0x62: {  	_ =	shalt  }
0x63: {  	_ =	shalt  }
0x64: {  	_ =	shalt  }
0x65: {  	_ =	shalt  }
0x66: {  	_ =	shalt  }
0x67: {  	_ =	shalt  }
0x68: {  	_ =	shalt  }
0x69: {  	_ =	shalt  }
0x6a: {  	_ =	shalt  }
0x6b: {  	_ =	shalt  }
0x6c: {  	_ =	shalt  }
0x6d: {  	_ =	shalt  }
0x6e: {  	_ =	shalt  }
0x6f: {  	_ =	shalt  }
0x70: {  	_ =	shalt  }
0x71: {  	_ =	shalt  }
0x72: {  	_ =	shalt  }
0x73: {  	_ =	shalt  }
0x74: {  	_ =	shalt  }
0x75: {  	_ =	shalt  }
0x76: {  	_ =	shalt  }
0x77: {  	_ =	shalt  }
0x78: {  	_ =	shalt  }
0x79: {  	_ =	shalt  }
0x7a: {  	_ =	shalt  }
0x7b: {  	_ =	shalt  }
0x7c: {  	_ =	shalt  }
0x7d: {  	_ =	shalt  }
0x7e: {  	_ =	shalt  }
0x7f: {  	_ =	shalt  }
0x80: {  	_ =	shalt  }
0x81: {  	_ =	shalt  }
0x82: {  	_ =	shalt  }
0x83: {  	_ =	shalt  }
0x84: {  	_ =	shalt  }
0x85: {  	_ =	shalt  }
0x86: {  	_ =	shalt  }
0x87: {  	_ =	shalt  }
.Lfunc_end0:
.L_simem_size_0:
called_computation_lowered:
.L_overlay_start_0:
0x88: {  	s2 =	sld [smem:$0x3FD9]  }
0x89: {  	s3 =	sld [smem:$0x3FFE];
	_ =	sdelay $0x1  }
0x8a: {  	s1 =	srdreg.scid  }
0x8b: {  	s0 =	sand.u32 $0x1, s1  }
0x8c: {  	s17 =	sshll.u32 s0, $0xA;
	s2 =	sadd.s32 s3, s2  }
0x8d: {  	s2 =	sadd.s32 s2, s17  }
0x8e: {  	[smem:$0x3FC5] =	sst s2  }
0x8f: {  	_ = 	snop  }
0x90: {  	s2 =	sld [smem:$0x3FD0];
	(tm) =	ssettm $0x1  }
0x91: {  	s18 =	sld [smem:$0x3FFB];
	_ =	sdelay $0x3  }
0x92: {  	_ =	strace s18  }
0x93: {  	s3 =	sld [smem:$0x3FFC];
	_ =	sdelay $0x3  }
0x94: {  	_ =	strace s3  }
0x95: {  	s3 =	sld [smem:$0x3FFD];
	_ =	sdelay $0x3  }
0x96: {  	_ =	strace s3  }
0x97: {  	_ =	strace $0x8FFFFFFF  }
0x98: {  	s19 =	sld [smem:$0x3FDB];
	_ =	sdelay $0x1  }
0x99: {  	s4 =	simm.s32 $_scs_section_size  }
0x9a: {  	s5 =	simm.s32 $_size__tile_overlayer_lowered;
	s6 =	simm.s32 $_tile_overlayer_lowered  }
0x9b: {  	s22 =	simm.s32 $0x1BFF;
	s21 =	sshll.u32 s6, $0x1;
	s3 =	sadd.s32 s4, s19  }
0x9c: {  	s7 =	simm.s32 $0x0;
	s20 =	sshll.u32 s5, $0x1;
	s5 =	sadd.s32 s21, s3  }
0x9d: {  	[timem:s7], [sflag:s22] =	dma.local [hbm:s5], s20  }
0x9e: {  	_ =	swait.ge [sflag:s22], s20  }
0x9f: {  	s4 =	ssub.s32 $0x0, s20;
	[sflag:s22] =	ssyncset.done $0x0  }
0xa0: {  	[sflag:s22] =	ssyncadd.s32 s4;
	_ =	sdelay $0x1  }
0xa1: {  	s23 =	simm.s32 $0x1B8B  }
0xa2: {  	_ =	swait.ge [sflag:s23], $0x1  }
0xa3: {  	[sflag:s23] =	ssyncset.done $0x0  }
0xa4: {  	s25 =	simm.s32 $0x1B8E;
	s24 =	sld [smem:$0x3FFE];
	[sflag:s23] =	ssyncadd.s32 $0xFFFFFFFF  }
0xa5: {  	s26 =	simm.s32 $execute0_lowered;
	[smem:$0x3FD2] =	sst s25  }
0xa6: {  	s5 =	sshll.u32 s26, $0x1;
	_ =	strace $0x80000046;
	[dreg:$0x1] =	wrdreg $0xFFFFFFFF  }
0xa7: {  	s28 =	simm.s32 $_size_execute0_lowered;
	s3 =	sadd.s32 s3, s5;
	[dreg:$0x0] =	wrdreg $0x0  }
0xa8: {  	s5 =	sshll.u32 s28, $0x1;
	[dreg:$0x2] =	wrdreg s3  }
0xa9: {  	[dreg:$0x3] =	wrdreg s5  }
0xaa: {  	[dreg:$0x4] =	wrdreg $0xC0  }
0xab: {  	_ =	task [dreg:s7], $0x5FFFF  }
0xac: {  	[dreg:$0x1] =	wrdreg $0xFFFFFFFF  }
0xad: {  	[dreg:$0x0] =	wrdreg $0x60  }
0xae: {  	[dreg:$0x2] =	wrdreg s24  }
0xaf: {  	[dreg:$0x3] =	wrdreg s2  }
0xb0: {  	[dreg:$0x4] =	wrdreg $0x9  }
0xb1: {  	_ =	task.clear_ibuf [dreg:s7], $0x5FFFF;
	_ =	strace $0x90000046  }
0xb2: {  	s29 =	simm.s32 $0x9;
	_ =	strace $0x80000048  }
0xb3: {  	_ =	swait.ge [sflag:s29], $0x1  }
0xb4: {  	[sflag:s29] =	ssyncadd.s32 $0xFFFFFFFF  }
0xb5: {  	_ =	strace $0x90000048  }
0xb6: {  	_ =	sfence  }
0xb7: {  	s30 =	sld [smem:$0x0];
	_ =	sdelay $0x2  }
0xb8: {  	s31 =	sshll.u32 s1, $0xD;
	s1 =	sshrl.u32 s1, $0x2  }
0xb9: {  	s3 =	sand.u32 $0x4000, s31;
	s1 =	sadd.s32 s1, s30  }
0xba: {  	s0 =	sor.u32 s3, s0;
	s1 =	sshll.u32 s1, $0x11  }
0xbb: {  	s0 =	sor.u32 s1, s0  }
0xbc: {  	s0 =	sadd.s32 $0x8F2B, s0  }
0xbd: {  	[sflag:s0] =	ssyncadd.remote.s32 $0x1  }
0xbe: {  	_ =	sfence.sel $0xFFFF  }
0xbf: {  	[dreg:$0x0] =	wrdreg $0xFFFFFFFF;
	(pc) =	sbr.abs _section_cstart, $3  }
0xc0: {  	[dreg:$0x1] =	wrdreg $0xFFFFFFFF  }
0xc1: {  	_ =	task.clear_ibuf [dreg:s7], $0x2FFFF;
	_ =	strace $0x9FFFFFFF  }
0xc2: {  	(tm) =	ssettm $0x7FFFFFFF  }
0xc3: {  	_ =	shalt  }
tec
execute0_lowered:
.L_overlay_start_1:
0x0: {  	(tag) =	ssettag $0x1  }
0x1: {  	s5 =	rddreg [dreg:$0x0]  }
0x2: {  	s1 =	rddreg [dreg:$0x1]  }
0x3: {  	s0 =	rddreg [dreg:$0x2];
	s3 =	simm.s32 $0x0;
	s4 =	srdreg.scid  }
0x4: {  	s2 =	stileid.u32;
	s10 =	simm.s32 $0x2000;
	s11 =	simm.s32 $0x2800  }
0x5: {  	s12 =	simm.s32 $0x3000;
	s13 =	simm.s32 $0x3800;
	s14 =	simm.s32 $0x1  }
0x6: {  	s15 =	simm.s32 $0x800;
	s16 =	simm.s32 $0x4000;
	s17 =	simm.s32 $0x6000  }
0x7: {  	s18 =	simm.s32 $0x4800;
	s19 =	simm.s32 $0xA000;
	s20 =	simm.s32 $0x5000  }
0x8: {  	s21 =	simm.s32 $0xE000;
	s22 =	simm.s32 $0x5800;
	s23 =	simm.s32 $0x12000  }
0x9: {  	s24 =	simm.s32 $0x2;
	s25 =	simm.s32 $0x0;
	s6 =	sand.u32 $0x1, s4  }
0xa: {  	[smem:$0x7FF] =	sst s3;
	s7 =	sshll.u32 s2, $0x7;
	s8 =	sshll.u32 s6, $0x6  }
0xb: {  	s4 =	sadd.s32 $0xC00, s5;
	_ =	strace $0x80000047;
	s7 =	sor.u32 s8, s7  }
0xc: {  	s6 =	ssub.s32 $0x2, s6;
	s8 =	sshll.u32 s7, $0x4;
	s7 =	sshll.u32 s7, $0xB  }
0xd: {  	s9 =	sshrl.u32 s6, $0x1;
	s8 =	sadd.s32 s8, s5;
	s7 =	sadd.s32 s7, s5  }
0xe: {  	s9 =	ssub.s32 s6, s9;
	s5 =	sadd.s32 $0x8C00, s8;
	s6 =	sadd.s32 $0x10C00, s7  }
0xf: {  	s7 =	smax.u32 s9, $0x1;
	s8 =	simm.s32 $0x3;
	s9 =	simm.s32 $0x80  }
.LBB2_1:
0x10: {  	[tilespmem:s3], [sflag:$0x3] =	stream.linear.gather [hbm4b:s5+s3], $0x2000, $0x38;
	[tilespmem:$0x16000] =	vst v63  }
0x11: {  	_ =	swait.ge [sflag:s8], $0x2000  }
0x12: {  	[sflag:s8] =	ssyncset.done $0x0  }
0x13: {  	s26 =	simm.s32 $0x0;
	[sflag:s8] =	ssyncadd.s32 $0xFFFFE000  }
.LBB2_2:
0x14: {  	s28 =	sshll.u32 s26, $0x9  }
0x15: {  	s28 =	sand.u32 $0x3FFFFE00, s28  }
0x16: {  	[tilespmem:s10], [sflag:$0x1] =	stream.indirect.gather [hbm4b:s4+s9], $0x10, s28, s9, $0xb8;
	[tilespmem:$0x16000] =	vst v63  }
0x17: {  	s29 =	sor.u32 $0x80, s28  }
0x18: {  	[tilespmem:s11], [sflag:$0x1] =	stream.indirect.gather [hbm4b:s4+s9], $0x10, s29, s9, $0xb8;
	[tilespmem:$0x16000] =	vst v63  }
0x19: {  	s29 =	sor.u32 $0x100, s28  }
0x1a: {  	[tilespmem:s12], [sflag:$0x1] =	stream.indirect.gather [hbm4b:s4+s9], $0x10, s29, s9, $0xb8;
	[tilespmem:$0x16000] =	vst v63  }
0x1b: {  	s28 =	sor.u32 $0x180, s28  }
0x1c: {  	[tilespmem:s13], [sflag:$0x1] =	stream.indirect.gather [hbm4b:s4+s9], $0x10, s28, s9, $0xb8;
	[tilespmem:$0x16000] =	vst v63  }
0x1d: {  	_ =	swait.ge [sflag:s14], $0x800  }
0x1e: {  	[sflag:s14] =	ssyncset.done $0x0  }
0x1f: {  	[sflag:s14] =	ssyncadd.s32 $0xFFFFF800  }
0x20: {  	_ =	swait.ge [sflag:s14], $0x800  }
0x21: {  	[sflag:s14] =	ssyncset.done $0x0  }
0x22: {  	[sflag:s14] =	ssyncadd.s32 $0xFFFFF800  }
0x23: {  	_ =	swait.ge [sflag:s14], $0x800  }
0x24: {  	[sflag:s14] =	ssyncset.done $0x0  }
0x25: {  	[sflag:s14] =	ssyncadd.s32 $0xFFFFF800  }
0x26: {  	_ =	swait.ge [sflag:s14], $0x800  }
0x27: {  	[sflag:s14] =	ssyncset.done $0x0  }
0x28: {  	s28 =	simm.s32 $0x0;
	[sflag:s14] =	ssyncadd.s32 $0xFFFFF800  }
0x29: {  	v0 =	vld [tilespmem:s28+$0x3800]  }
0x2a: {  	v1 =	vld [tilespmem:s28+$0x2000]  }
0x2b: {  	v2 =	vld [tilespmem:s28+$0x2800]  }
0x2c: {  	s29 =	simm.s32 $0x40;
	v3 =	vld [tilespmem:s28+$0x3000]  }
.LBB2_3:
0x2d: {  	p0 =	sne.s32 s29, $0x1FC0  }
.Ltmp0:
0x2e: {  	s30 =	sshra.s32 s29, $0x2;
	s29 =	sadd.s32 $0x40, s29;
	[tilespmem:s28+$0x5800] =	vst v0;
	(pc) =	sbr.rel @p0 .LBB2_3-.Ltmp0, $4  }
0x2f: {  	v0 =	vld [tilespmem:s30+$0x3800];
	[tilespmem:s28+$0x4000] =	vst v1  }
0x30: {  	v1 =	vld [tilespmem:s30+$0x2000];
	[tilespmem:s28+$0x4800] =	vst v2  }
0x31: {  	v2 =	vld [tilespmem:s30+$0x2800];
	[tilespmem:s28+$0x5000] =	vst v3;
	s28 =	smov.u32 s30  }
0x32: {  	v3 =	vld [tilespmem:s28+$0x3000]  }
0x33: {  	_ = 	snop  }
0x34: {  	[tilespmem:s28+$0x5800] =	vst v0  }
0x35: {  	[tilespmem:s28+$0x4000] =	vst v1  }
0x36: {  	[tilespmem:s28+$0x4800] =	vst v2  }
0x37: {  	[tilespmem:s28+$0x5000] =	vst v3  }
0x38: {  	[tilespmem:s17], [sflag:$0x2] =	stream.indirect.gather [hbm4b:s1+s15], $0x8, s16, s15, $0xb8;
	[tilespmem:$0x16000] =	vst v63  }
0x39: {  	_ = 	snop  }
0x3a: {  	[tilespmem:s19], [sflag:$0x2] =	stream.indirect.gather [hbm4b:s1+s15], $0x8, s18, s15, $0xb8;
	[tilespmem:$0x16000] =	vst v63  }
0x3b: {  	_ = 	snop  }
0x3c: {  	[tilespmem:s21], [sflag:$0x2] =	stream.indirect.gather [hbm4b:s1+s15], $0x8, s20, s15, $0xb8;
	[tilespmem:$0x16000] =	vst v63  }
0x3d: {  	_ = 	snop  }
0x3e: {  	[tilespmem:s23], [sflag:$0x2] =	stream.indirect.gather [hbm4b:s1+s15], $0x8, s22, s15, $0xb8;
	[tilespmem:$0x16000] =	vst v63  }
0x3f: {  	_ =	swait.ge [sflag:s24], $0x4000  }
0x40: {  	[sflag:s24] =	ssyncset.done $0x0  }
0x41: {  	[sflag:s24] =	ssyncadd.s32 $0xFFFFC000  }
0x42: {  	_ =	swait.ge [sflag:s24], $0x4000  }
0x43: {  	[sflag:s24] =	ssyncset.done $0x0  }
0x44: {  	[sflag:s24] =	ssyncadd.s32 $0xFFFFC000  }
0x45: {  	_ =	swait.ge [sflag:s24], $0x4000  }
0x46: {  	[sflag:s24] =	ssyncset.done $0x0  }
0x47: {  	[sflag:s24] =	ssyncadd.s32 $0xFFFFC000  }
0x48: {  	s31 =	sshll.u32 s26, $0xD;
	s26 =	sadd.s32 $0x1, s26;
	_ =	swait.ge [sflag:s24], $0x4000  }
0x49: {  	p0 =	sne.s32 s26, $0x10;
	[sflag:s24] =	ssyncset.done $0x0  }
.Ltmp1:
0x4a: {  	s28 =	sadd.s32 s31, s6;
	[sflag:s24] =	ssyncadd.s32 $0xFFFFC000;
	(pc) =	sbr.rel @p0 .LBB2_2-.Ltmp1, $4  }
0x4b: {  	[hbm4b:s28+s3] =	stream.linear.scatter [tilespmem:s17], [sflag:$0x3], $0x10000, $0x38;
	[tilespmem:$0x16000] =	vst v63  }
0x4c: {  	_ =	swait.ge [sflag:s8], $0x10000  }
0x4d: {  	[sflag:s8] =	ssyncset.done $0x0  }
0x4e: {  	[sflag:s8] =	ssyncadd.s32 $0xFFFF0000  }
0x4f: {  	s25 =	sadd.s32 $0x1, s25  }
0x50: {  	p0 =	sne.s32 s25, s7  }
.Ltmp2:
0x51: {  	_ = 	snop;
	(pc) =	sbr.rel @p0 .LBB2_1-.Ltmp2, $1  }
0x52: {  	_ =	sdelay $0x3  }
0x53: {  	_ =	sfence.sel $0x180000  }
0x54: {  	[bflag:$0x0] =	sbarrier.arrive $0xFFFF  }
0x55: {  	p0 =	sne.s32 s2, $0x0;
	_ =	strace $0x90000047  }
0x56: {  	s0 =	sadd.s32 @!p0 $0x100000, s0;
	[bflag:$0x2] =	sbarrier.arrive $0xFFFF  }
0x57: {  	[sflag:s0] =	ssyncadd.tile.s32 @!p0 $0x1;
	_ =	shalt  }
.Lfunc_end2:
_tile_overlayer_lowered:
.L_overlay_start_2:
0x58: {  	(tag) =	ssettag $0x2  }
0x59: {  	s0 =	rddreg [dreg:$0x0];
	s2 =	stileid.u32  }
0x5a: {  	s1 =	rddreg [dreg:$0x1];
	p0 =	sne.s32 s2, $0x0  }
0x5b: {  	s3 =	rddreg [dreg:$0x2];
	[bflag:$0x3] =	sbarrier.arrive $0xFFFF;
	s2 =	simm.s32 @!p0 $0x1C03  }
0x5c: {  	[timem:s3], [sflag:s2] =	dma.local @!p0 [hbm:s0], s1  }
0x5d: {  	s0 =	simm.s32 @!p0 $0x3  }
0x5e: {  	_ =	swait.ge @!p0 [sflag:s0], s1  }
0x5f: {  	s1 =	ssub.s32 @!p0 $0x0, s1;
	[sflag:s0] =	ssyncset.done @!p0 $0x0  }
0x60: {  	[sflag:s0] =	ssyncadd.s32 @!p0 s1  }
0x61: {  	[bflag:$0x3] =	sbarrier.arrive $0xFFFF  }
0x62: {  	_ =	shalt  }

</sc_bundles>
